<compile_context>
chip_gen: v7x
topology: tpu7x:2x2x1
jax: 0.10.2.dev20260603
libtpu: 0.0.44.dev20260713+nightly
codegen_flags: <defaults>
</compile_context>

<pallas_src>
import functools

import jax
import jax.numpy as jnp
from jax import lax
from jax.experimental import pallas as pl
from jax.experimental.pallas import tpu as pltpu, tpu_sc as plsc

_INFO = plsc.get_sparse_core_info()
_NC, _NS = _INFO.num_cores, _INFO.num_subcores
_NW = _NC * _NS
_IW = 128
_K = 5
_CHUNK = _IW * _K


@functools.partial(jax.jit, static_argnums=(2,))
def _sc_gather(idx2d, table, num_chunks):
    D = table.shape[1]
    B = idx2d.shape[0] * idx2d.shape[1]
    rows_per_w = num_chunks * _K
    mesh = plsc.VectorSubcoreMesh(core_axis_name="c", subcore_axis_name="s")

    @functools.partial(
        pl.kernel,
        out_type=jax.ShapeDtypeStruct((B, D), jnp.float32),
        mesh=mesh,
        scratch_types=[
            pltpu.VMEM((_K, _IW), jnp.int32),
            pltpu.VMEM((_K, _IW), jnp.int32),
            pltpu.VMEM((_CHUNK, D), jnp.float32),
            pltpu.VMEM((_CHUNK, D), jnp.float32),
            pltpu.SemaphoreType.DMA,
            pltpu.SemaphoreType.DMA,
        ],
        compiler_params=pltpu.CompilerParams(use_tc_tiling_on_sc=False),
    )
    def k(idx_hbm, table_hbm, out_hbm, idx_a, idx_b, rows_a, rows_b, sem_a, sem_b):
        wid = lax.axis_index("s") * _NC + lax.axis_index("c")
        row_base = wid * rows_per_w

        def stage(idx_v, rows_v, sem, irow):
            pltpu.sync_copy(idx_hbm.at[pl.ds(irow, _K)], idx_v)
            for j in range(_K):
                pltpu.async_copy(
                    table_hbm.at[idx_v.at[j]],
                    rows_v.at[pl.ds(j * _IW, _IW)],
                    sem,
                )

        def drain(rows_v, sem, irow):
            for j in range(_K):
                pltpu.make_async_copy(
                    table_hbm.at[pl.ds(0, _IW)],
                    rows_v.at[pl.ds(j * _IW, _IW)],
                    sem,
                ).wait()
            pltpu.sync_copy(rows_v, out_hbm.at[pl.ds(irow * _IW, _CHUNK)])

        stage(idx_a, rows_a, sem_a, row_base)

        def body(p, carry):
            irow_a = row_base + 2 * p * _K
            stage(idx_b, rows_b, sem_b, irow_a + _K)
            drain(rows_a, sem_a, irow_a)

            @pl.when(p < num_chunks // 2 - 1)
            def _():
                stage(idx_a, rows_a, sem_a, irow_a + 2 * _K)

            drain(rows_b, sem_b, irow_a + _K)
            return carry

        lax.fori_loop(0, num_chunks // 2, body, 0)

    return k(idx2d, table)


def kernel(location_x, loc_table, time_table, user_table):
    orig_shape = location_x.shape
    idx_flat = location_x.reshape(-1).astype(jnp.int32)
    B = idx_flat.shape[0]
    b_per_w = B // _NW
    num_chunks = b_per_w // _CHUNK
    idx2d = idx_flat.reshape(B // _IW, _IW)
    out = _sc_gather(idx2d, loc_table, num_chunks)
    loc_emb = out.reshape(orig_shape + (loc_table.shape[1],))
    return (loc_emb, time_table, user_table)

# --- scband reference (transcript-rebuilt; emitter-appended) ---
"""Pipeline reference for scband-my-embedding-20091857011203 (READ-ONLY COPY).

The authoritative reference and input builder live on the scoring server;
editing this copy changes nothing except your own understanding.
"""

import jax, jax.numpy as jnp
import numpy as np


def setup_inputs(seed: int = 0) -> dict:
    key = jax.random.key(seed)
    k1, k2, k3, k4 = jax.random.split(key, 4)
    location_x = jax.random.randint(k1, (4096, 200), 0, 1000000)
    loc_table = jax.random.normal(k2, (1000000, 64), dtype=jnp.float32) * 0.02
    user_table = jax.random.normal(k3, (100000, 64), dtype=jnp.float32) * 0.02
    time_table = jax.random.normal(k4, (24, 64), dtype=jnp.float32) * 0.02
    return {
        "location_x": location_x,
        "loc_table": loc_table,
        "time_table": time_table,
        "user_table": user_table,
    }


def reference(location_x, loc_table, time_table, user_table):
    # loc_emb = self.location_embedding(batch_data['location_x'])
    loc_emb = jnp.take(loc_table, location_x, axis=0)
    # time_emb = self.timeslot_embedding(arange(24))
    timeslot_ids = jnp.arange(time_table.shape[0])
    time_emb = jnp.take(time_table, timeslot_ids, axis=0)
    # user_emb = self.user_embedding(arange(num_users))
    user_ids = jnp.arange(user_table.shape[0])
    user_emb = jnp.take(user_table, user_ids, axis=0)
    return (loc_emb, time_emb, user_emb)

if __name__ == "__main__":
    import jax
    _d = setup_inputs()
    print(jax.jit(kernel)(*tuple(_d.values())))

</pallas_src>

<mosaic_0001>
#map = affine_map<(d0, d1) -> (0, 0)>
module attributes {stable_mosaic.version = 14 : i64} {
  func.func @k(%arg0: i32, %arg1: i32, %arg2: memref<6400x128xi32, #tpu.memory_space<hbm>>, %arg3: memref<1000000x64xf32, #tpu.memory_space<hbm>>, %arg4: memref<819200x64xf32, #tpu.memory_space<hbm>>, %arg5: memref<5x128xi32, #tpu.memory_space<vmem>>, %arg6: memref<5x128xi32, #tpu.memory_space<vmem>>, %arg7: memref<640x64xf32, #tpu.memory_space<vmem>>, %arg8: memref<640x64xf32, #tpu.memory_space<vmem>>, %arg9: memref<!tpu.dma_semaphore, #tpu.memory_space<semaphore_mem>>, %arg10: memref<!tpu.dma_semaphore, #tpu.memory_space<semaphore_mem>>) attributes {dimension_semantics = [#tpu.dimension_semantics<core_parallel>, #tpu.dimension_semantics<subcore_parallel>], iteration_bounds = array<i64: 2, 16>, scalar_prefetch = 0 : i64, scratch_operands = 6 : i64, tpu.core_type = #tpu.core_type<sc_vector_subcore>, window_params = [{transform_indices = #map}, {transform_indices = #map}, {transform_indices = #map}]} {
    %mul3A = arith.constant 2 : i32
    %mul3A_0 = arith.muli %arg1, %mul3A : i32
    %add3A = arith.addi %mul3A_0, %arg0 : i32
    %mul3A_1 = arith.constant 200 : i32
    %mul3A_2 = arith.muli %add3A, %mul3A_1 : i32
    "tpu.region"() ({
      %run_scoped3A = tpu.sem_alloc : memref<!tpu.dma_semaphore, #tpu.memory_space<semaphore_mem>>
      %dma_start3A_57 = arith.constant 0 : i32
      %dma_start3A_58 = tpu.memref_slice %arg2[%mul3A_2, %dma_start3A_57] : memref<6400x128xi32, #tpu.memory_space<hbm>> -> memref<5x128xi32, #tpu.memory_space<hbm>>
      %dma_start3A_59 = arith.constant 0 : i32
      %dma_start3A_60 = tpu.memref_slice %arg2[%mul3A_2, %dma_start3A_59] : memref<6400x128xi32, #tpu.memory_space<hbm>> -> memref<5x128xi32, #tpu.memory_space<hbm>>
      tpu.enqueue_dma source(%dma_start3A_60 : memref<5x128xi32, #tpu.memory_space<hbm>>) target(%arg5 : memref<5x128xi32, #tpu.memory_space<vmem>>) target_semaphore(%run_scoped3A : memref<!tpu.dma_semaphore, #tpu.memory_space<semaphore_mem>>)
      %dma_wait3A = arith.constant 0 : i32
      %dma_wait3A_61 = tpu.memref_slice %arg2[%mul3A_2, %dma_wait3A] : memref<6400x128xi32, #tpu.memory_space<hbm>> -> memref<5x128xi32, #tpu.memory_space<hbm>>
      %dma_wait3A_62 = arith.constant 0 : i32
      %dma_wait3A_63 = tpu.memref_slice %arg2[%mul3A_2, %dma_wait3A_62] : memref<6400x128xi32, #tpu.memory_space<hbm>> -> memref<5x128xi32, #tpu.memory_space<hbm>>
      tpu.wait_dma2 semaphore(%run_scoped3A : memref<!tpu.dma_semaphore, #tpu.memory_space<semaphore_mem>>) src(%dma_wait3A_63 : memref<5x128xi32, #tpu.memory_space<hbm>>) dst(%arg5 : memref<5x128xi32, #tpu.memory_space<vmem>>)
      tpu.yield
    }) : () -> ()
    %dma_start3A = arith.constant 0 : i32
    %dma_start3A_3 = arith.constant 0 : i32
    %dma_start3A_4 = arith.constant 0 : i32
    %dma_start3A_5 = tpu.memref_slice %arg7[%dma_start3A_3, %dma_start3A_4] : memref<640x64xf32, #tpu.memory_space<vmem>> -> memref<128x64xf32, #tpu.memory_space<vmem>>
    %dma_start3A_6 = arith.constant 0 : i32
    %dma_start3A_7 = tpu.memref_slice %arg5[%dma_start3A, %dma_start3A_6] : memref<5x128xi32, #tpu.memory_space<vmem>> -> memref<1x128xi32, #tpu.memory_space<vmem>>
    %dma_start3A_8 = tpu.memref_squeeze %dma_start3A_7 : memref<1x128xi32, #tpu.memory_space<vmem>> -> memref<128xi32, #tpu.memory_space<vmem>>
    %dma_start3A_9 = arith.constant 0 : i32
    %dma_start3A_10 = arith.constant 0 : i32
    %dma_start3A_11 = tpu.memref_slice %arg3[%dma_start3A_9, %dma_start3A_10] : memref<1000000x64xf32, #tpu.memory_space<hbm>> -> memref<1000000x64xf32, #tpu.memory_space<hbm>>
    tpu.enqueue_indirect_dma source(%dma_start3A_11 : memref<1000000x64xf32, #tpu.memory_space<hbm>>) target(%dma_start3A_5 : memref<128x64xf32, #tpu.memory_space<vmem>>) offsets(%dma_start3A_8 : memref<128xi32, #tpu.memory_space<vmem>>) semaphore(%arg9 : memref<!tpu.dma_semaphore, #tpu.memory_space<semaphore_mem>>)
    %dma_start3A_12 = arith.constant 1 : i32
    %dma_start3A_13 = arith.constant 128 : i32
    %dma_start3A_14 = arith.constant 0 : i32
    %dma_start3A_15 = tpu.memref_slice %arg7[%dma_start3A_13, %dma_start3A_14] : memref<640x64xf32, #tpu.memory_space<vmem>> -> memref<128x64xf32, #tpu.memory_space<vmem>>
    %dma_start3A_16 = arith.constant 0 : i32
    %dma_start3A_17 = tpu.memref_slice %arg5[%dma_start3A_12, %dma_start3A_16] : memref<5x128xi32, #tpu.memory_space<vmem>> -> memref<1x128xi32, #tpu.memory_space<vmem>>
    %dma_start3A_18 = tpu.memref_squeeze %dma_start3A_17 : memref<1x128xi32, #tpu.memory_space<vmem>> -> memref<128xi32, #tpu.memory_space<vmem>>
    %dma_start3A_19 = arith.constant 0 : i32
    %dma_start3A_20 = arith.constant 0 : i32
    %dma_start3A_21 = tpu.memref_slice %arg3[%dma_start3A_19, %dma_start3A_20] : memref<1000000x64xf32, #tpu.memory_space<hbm>> -> memref<1000000x64xf32, #tpu.memory_space<hbm>>
    tpu.enqueue_indirect_dma source(%dma_start3A_21 : memref<1000000x64xf32, #tpu.memory_space<hbm>>) target(%dma_start3A_15 : memref<128x64xf32, #tpu.memory_space<vmem>>) offsets(%dma_start3A_18 : memref<128xi32, #tpu.memory_space<vmem>>) semaphore(%arg9 : memref<!tpu.dma_semaphore, #tpu.memory_space<semaphore_mem>>)
    %dma_start3A_22 = arith.constant 2 : i32
    %dma_start3A_23 = arith.constant 256 : i32
    %dma_start3A_24 = arith.constant 0 : i32
    %dma_start3A_25 = tpu.memref_slice %arg7[%dma_start3A_23, %dma_start3A_24] : memref<640x64xf32, #tpu.memory_space<vmem>> -> memref<128x64xf32, #tpu.memory_space<vmem>>
    %dma_start3A_26 = arith.constant 0 : i32
    %dma_start3A_27 = tpu.memref_slice %arg5[%dma_start3A_22, %dma_start3A_26] : memref<5x128xi32, #tpu.memory_space<vmem>> -> memref<1x128xi32, #tpu.memory_space<vmem>>
    %dma_start3A_28 = tpu.memref_squeeze %dma_start3A_27 : memref<1x128xi32, #tpu.memory_space<vmem>> -> memref<128xi32, #tpu.memory_space<vmem>>
    %dma_start3A_29 = arith.constant 0 : i32
    %dma_start3A_30 = arith.constant 0 : i32
    %dma_start3A_31 = tpu.memref_slice %arg3[%dma_start3A_29, %dma_start3A_30] : memref<1000000x64xf32, #tpu.memory_space<hbm>> -> memref<1000000x64xf32, #tpu.memory_space<hbm>>
    tpu.enqueue_indirect_dma source(%dma_start3A_31 : memref<1000000x64xf32, #tpu.memory_space<hbm>>) target(%dma_start3A_25 : memref<128x64xf32, #tpu.memory_space<vmem>>) offsets(%dma_start3A_28 : memref<128xi32, #tpu.memory_space<vmem>>) semaphore(%arg9 : memref<!tpu.dma_semaphore, #tpu.memory_space<semaphore_mem>>)
    %dma_start3A_32 = arith.constant 3 : i32
    %dma_start3A_33 = arith.constant 384 : i32
    %dma_start3A_34 = arith.constant 0 : i32
    %dma_start3A_35 = tpu.memref_slice %arg7[%dma_start3A_33, %dma_start3A_34] : memref<640x64xf32, #tpu.memory_space<vmem>> -> memref<128x64xf32, #tpu.memory_space<vmem>>
    %dma_start3A_36 = arith.constant 0 : i32
    %dma_start3A_37 = tpu.memref_slice %arg5[%dma_start3A_32, %dma_start3A_36] : memref<5x128xi32, #tpu.memory_space<vmem>> -> memref<1x128xi32, #tpu.memory_space<vmem>>
    %dma_start3A_38 = tpu.memref_squeeze %dma_start3A_37 : memref<1x128xi32, #tpu.memory_space<vmem>> -> memref<128xi32, #tpu.memory_space<vmem>>
    %dma_start3A_39 = arith.constant 0 : i32
    %dma_start3A_40 = arith.constant 0 : i32
    %dma_start3A_41 = tpu.memref_slice %arg3[%dma_start3A_39, %dma_start3A_40] : memref<1000000x64xf32, #tpu.memory_space<hbm>> -> memref<1000000x64xf32, #tpu.memory_space<hbm>>
    tpu.enqueue_indirect_dma source(%dma_start3A_41 : memref<1000000x64xf32, #tpu.memory_space<hbm>>) target(%dma_start3A_35 : memref<128x64xf32, #tpu.memory_space<vmem>>) offsets(%dma_start3A_38 : memref<128xi32, #tpu.memory_space<vmem>>) semaphore(%arg9 : memref<!tpu.dma_semaphore, #tpu.memory_space<semaphore_mem>>)
    %dma_start3A_42 = arith.constant 4 : i32
    %dma_start3A_43 = arith.constant 512 : i32
    %dma_start3A_44 = arith.constant 0 : i32
    %dma_start3A_45 = tpu.memref_slice %arg7[%dma_start3A_43, %dma_start3A_44] : memref<640x64xf32, #tpu.memory_space<vmem>> -> memref<128x64xf32, #tpu.memory_space<vmem>>
    %dma_start3A_46 = arith.constant 0 : i32
    %dma_start3A_47 = tpu.memref_slice %arg5[%dma_start3A_42, %dma_start3A_46] : memref<5x128xi32, #tpu.memory_space<vmem>> -> memref<1x128xi32, #tpu.memory_space<vmem>>
    %dma_start3A_48 = tpu.memref_squeeze %dma_start3A_47 : memref<1x128xi32, #tpu.memory_space<vmem>> -> memref<128xi32, #tpu.memory_space<vmem>>
    %dma_start3A_49 = arith.constant 0 : i32
    %dma_start3A_50 = arith.constant 0 : i32
    %dma_start3A_51 = tpu.memref_slice %arg3[%dma_start3A_49, %dma_start3A_50] : memref<1000000x64xf32, #tpu.memory_space<hbm>> -> memref<1000000x64xf32, #tpu.memory_space<hbm>>
    tpu.enqueue_indirect_dma source(%dma_start3A_51 : memref<1000000x64xf32, #tpu.memory_space<hbm>>) target(%dma_start3A_45 : memref<128x64xf32, #tpu.memory_space<vmem>>) offsets(%dma_start3A_48 : memref<128xi32, #tpu.memory_space<vmem>>) semaphore(%arg9 : memref<!tpu.dma_semaphore, #tpu.memory_space<semaphore_mem>>)
    %scan3A = arith.constant 0 : i32
    %scan3A_52 = arith.constant 0 : i32
    %scan3A_53 = arith.constant 20 : i32
    %scan3A_54 = arith.addi %scan3A_52, %scan3A_53 : i32
    %scan3A_55 = arith.constant 1 : i32
    scf.for %scan3A_57 = %scan3A_52 to %scan3A_54 step %scan3A_55  : i32 {
      %mul3A_58 = arith.constant 2 : i32
      %mul3A_59 = arith.muli %mul3A_58, %scan3A_57 : i32
      %mul3A_60 = arith.constant 5 : i32
      %mul3A_61 = arith.muli %mul3A_59, %mul3A_60 : i32
      %add3A_62 = arith.addi %mul3A_2, %mul3A_61 : i32
      %add3A_63 = arith.constant 5 : i32
      %add3A_64 = arith.addi %add3A_62, %add3A_63 : i32
      "tpu.region"() ({
        %run_scoped3A = tpu.sem_alloc : memref<!tpu.dma_semaphore, #tpu.memory_space<semaphore_mem>>
        %dma_start3A_242 = arith.constant 0 : i32
        %dma_start3A_243 = tpu.memref_slice %arg2[%add3A_64, %dma_start3A_242] : memref<6400x128xi32, #tpu.memory_space<hbm>> -> memref<5x128xi32, #tpu.memory_space<hbm>>
        %dma_start3A_244 = arith.constant 0 : i32
        %dma_start3A_245 = tpu.memref_slice %arg2[%add3A_64, %dma_start3A_244] : memref<6400x128xi32, #tpu.memory_space<hbm>> -> memref<5x128xi32, #tpu.memory_space<hbm>>
        tpu.enqueue_dma source(%dma_start3A_245 : memref<5x128xi32, #tpu.memory_space<hbm>>) target(%arg6 : memref<5x128xi32, #tpu.memory_space<vmem>>) target_semaphore(%run_scoped3A : memref<!tpu.dma_semaphore, #tpu.memory_space<semaphore_mem>>)
        %dma_wait3A_246 = arith.constant 0 : i32
        %dma_wait3A_247 = tpu.memref_slice %arg2[%add3A_64, %dma_wait3A_246] : memref<6400x128xi32, #tpu.memory_space<hbm>> -> memref<5x128xi32, #tpu.memory_space<hbm>>
        %dma_wait3A_248 = arith.constant 0 : i32
        %dma_wait3A_249 = tpu.memref_slice %arg2[%add3A_64, %dma_wait3A_248] : memref<6400x128xi32, #tpu.memory_space<hbm>> -> memref<5x128xi32, #tpu.memory_space<hbm>>
        tpu.wait_dma2 semaphore(%run_scoped3A : memref<!tpu.dma_semaphore, #tpu.memory_space<semaphore_mem>>) src(%dma_wait3A_249 : memref<5x128xi32, #tpu.memory_space<hbm>>) dst(%arg6 : memref<5x128xi32, #tpu.memory_space<vmem>>)
        tpu.yield
      }) : () -> ()
      %dma_start3A_65 = arith.constant 0 : i32
      %dma_start3A_66 = arith.constant 0 : i32
      %dma_start3A_67 = arith.constant 0 : i32
      %dma_start3A_68 = tpu.memref_slice %arg8[%dma_start3A_66, %dma_start3A_67] : memref<640x64xf32, #tpu.memory_space<vmem>> -> memref<128x64xf32, #tpu.memory_space<vmem>>
      %dma_start3A_69 = arith.constant 0 : i32
      %dma_start3A_70 = tpu.memref_slice %arg6[%dma_start3A_65, %dma_start3A_69] : memref<5x128xi32, #tpu.memory_space<vmem>> -> memref<1x128xi32, #tpu.memory_space<vmem>>
      %dma_start3A_71 = tpu.memref_squeeze %dma_start3A_70 : memref<1x128xi32, #tpu.memory_space<vmem>> -> memref<128xi32, #tpu.memory_space<vmem>>
      %dma_start3A_72 = arith.constant 0 : i32
      %dma_start3A_73 = arith.constant 0 : i32
      %dma_start3A_74 = tpu.memref_slice %arg3[%dma_start3A_72, %dma_start3A_73] : memref<1000000x64xf32, #tpu.memory_space<hbm>> -> memref<1000000x64xf32, #tpu.memory_space<hbm>>
      tpu.enqueue_indirect_dma source(%dma_start3A_74 : memref<1000000x64xf32, #tpu.memory_space<hbm>>) target(%dma_start3A_68 : memref<128x64xf32, #tpu.memory_space<vmem>>) offsets(%dma_start3A_71 : memref<128xi32, #tpu.memory_space<vmem>>) semaphore(%arg10 : memref<!tpu.dma_semaphore, #tpu.memory_space<semaphore_mem>>)
      %dma_start3A_75 = arith.constant 1 : i32
      %dma_start3A_76 = arith.constant 128 : i32
      %dma_start3A_77 = arith.constant 0 : i32
      %dma_start3A_78 = tpu.memref_slice %arg8[%dma_start3A_76, %dma_start3A_77] : memref<640x64xf32, #tpu.memory_space<vmem>> -> memref<128x64xf32, #tpu.memory_space<vmem>>
      %dma_start3A_79 = arith.constant 0 : i32
      %dma_start3A_80 = tpu.memref_slice %arg6[%dma_start3A_75, %dma_start3A_79] : memref<5x128xi32, #tpu.memory_space<vmem>> -> memref<1x128xi32, #tpu.memory_space<vmem>>
      %dma_start3A_81 = tpu.memref_squeeze %dma_start3A_80 : memref<1x128xi32, #tpu.memory_space<vmem>> -> memref<128xi32, #tpu.memory_space<vmem>>
      %dma_start3A_82 = arith.constant 0 : i32
      %dma_start3A_83 = arith.constant 0 : i32
      %dma_start3A_84 = tpu.memref_slice %arg3[%dma_start3A_82, %dma_start3A_83] : memref<1000000x64xf32, #tpu.memory_space<hbm>> -> memref<1000000x64xf32, #tpu.memory_space<hbm>>
      tpu.enqueue_indirect_dma source(%dma_start3A_84 : memref<1000000x64xf32, #tpu.memory_space<hbm>>) target(%dma_start3A_78 : memref<128x64xf32, #tpu.memory_space<vmem>>) offsets(%dma_start3A_81 : memref<128xi32, #tpu.memory_space<vmem>>) semaphore(%arg10 : memref<!tpu.dma_semaphore, #tpu.memory_space<semaphore_mem>>)
      %dma_start3A_85 = arith.constant 2 : i32
      %dma_start3A_86 = arith.constant 256 : i32
      %dma_start3A_87 = arith.constant 0 : i32
      %dma_start3A_88 = tpu.memref_slice %arg8[%dma_start3A_86, %dma_start3A_87] : memref<640x64xf32, #tpu.memory_space<vmem>> -> memref<128x64xf32, #tpu.memory_space<vmem>>
      %dma_start3A_89 = arith.constant 0 : i32
      %dma_start3A_90 = tpu.memref_slice %arg6[%dma_start3A_85, %dma_start3A_89] : memref<5x128xi32, #tpu.memory_space<vmem>> -> memref<1x128xi32, #tpu.memory_space<vmem>>
      %dma_start3A_91 = tpu.memref_squeeze %dma_start3A_90 : memref<1x128xi32, #tpu.memory_space<vmem>> -> memref<128xi32, #tpu.memory_space<vmem>>
      %dma_start3A_92 = arith.constant 0 : i32
      %dma_start3A_93 = arith.constant 0 : i32
      %dma_start3A_94 = tpu.memref_slice %arg3[%dma_start3A_92, %dma_start3A_93] : memref<1000000x64xf32, #tpu.memory_space<hbm>> -> memref<1000000x64xf32, #tpu.memory_space<hbm>>
      tpu.enqueue_indirect_dma source(%dma_start3A_94 : memref<1000000x64xf32, #tpu.memory_space<hbm>>) target(%dma_start3A_88 : memref<128x64xf32, #tpu.memory_space<vmem>>) offsets(%dma_start3A_91 : memref<128xi32, #tpu.memory_space<vmem>>) semaphore(%arg10 : memref<!tpu.dma_semaphore, #tpu.memory_space<semaphore_mem>>)
      %dma_start3A_95 = arith.constant 3 : i32
      %dma_start3A_96 = arith.constant 384 : i32
      %dma_start3A_97 = arith.constant 0 : i32
      %dma_start3A_98 = tpu.memref_slice %arg8[%dma_start3A_96, %dma_start3A_97] : memref<640x64xf32, #tpu.memory_space<vmem>> -> memref<128x64xf32, #tpu.memory_space<vmem>>
      %dma_start3A_99 = arith.constant 0 : i32
      %dma_start3A_100 = tpu.memref_slice %arg6[%dma_start3A_95, %dma_start3A_99] : memref<5x128xi32, #tpu.memory_space<vmem>> -> memref<1x128xi32, #tpu.memory_space<vmem>>
      %dma_start3A_101 = tpu.memref_squeeze %dma_start3A_100 : memref<1x128xi32, #tpu.memory_space<vmem>> -> memref<128xi32, #tpu.memory_space<vmem>>
      %dma_start3A_102 = arith.constant 0 : i32
      %dma_start3A_103 = arith.constant 0 : i32
      %dma_start3A_104 = tpu.memref_slice %arg3[%dma_start3A_102, %dma_start3A_103] : memref<1000000x64xf32, #tpu.memory_space<hbm>> -> memref<1000000x64xf32, #tpu.memory_space<hbm>>
      tpu.enqueue_indirect_dma source(%dma_start3A_104 : memref<1000000x64xf32, #tpu.memory_space<hbm>>) target(%dma_start3A_98 : memref<128x64xf32, #tpu.memory_space<vmem>>) offsets(%dma_start3A_101 : memref<128xi32, #tpu.memory_space<vmem>>) semaphore(%arg10 : memref<!tpu.dma_semaphore, #tpu.memory_space<semaphore_mem>>)
      %dma_start3A_105 = arith.constant 4 : i32
      %dma_start3A_106 = arith.constant 512 : i32
      %dma_start3A_107 = arith.constant 0 : i32
      %dma_start3A_108 = tpu.memref_slice %arg8[%dma_start3A_106, %dma_start3A_107] : memref<640x64xf32, #tpu.memory_space<vmem>> -> memref<128x64xf32, #tpu.memory_space<vmem>>
      %dma_start3A_109 = arith.constant 0 : i32
      %dma_start3A_110 = tpu.memref_slice %arg6[%dma_start3A_105, %dma_start3A_109] : memref<5x128xi32, #tpu.memory_space<vmem>> -> memref<1x128xi32, #tpu.memory_space<vmem>>
      %dma_start3A_111 = tpu.memref_squeeze %dma_start3A_110 : memref<1x128xi32, #tpu.memory_space<vmem>> -> memref<128xi32, #tpu.memory_space<vmem>>
      %dma_start3A_112 = arith.constant 0 : i32
      %dma_start3A_113 = arith.constant 0 : i32
      %dma_start3A_114 = tpu.memref_slice %arg3[%dma_start3A_112, %dma_start3A_113] : memref<1000000x64xf32, #tpu.memory_space<hbm>> -> memref<1000000x64xf32, #tpu.memory_space<hbm>>
      tpu.enqueue_indirect_dma source(%dma_start3A_114 : memref<1000000x64xf32, #tpu.memory_space<hbm>>) target(%dma_start3A_108 : memref<128x64xf32, #tpu.memory_space<vmem>>) offsets(%dma_start3A_111 : memref<128xi32, #tpu.memory_space<vmem>>) semaphore(%arg10 : memref<!tpu.dma_semaphore, #tpu.memory_space<semaphore_mem>>)
      %dma_wait3A = arith.constant 0 : i32
      %dma_wait3A_115 = arith.constant 0 : i32
      %dma_wait3A_116 = tpu.memref_slice %arg7[%dma_wait3A, %dma_wait3A_115] : memref<640x64xf32, #tpu.memory_space<vmem>> -> memref<128x64xf32, #tpu.memory_space<vmem>>
      %dma_wait3A_117 = arith.constant 0 : i32
      %dma_wait3A_118 = arith.constant 0 : i32
      %dma_wait3A_119 = tpu.memref_slice %arg3[%dma_wait3A_117, %dma_wait3A_118] : memref<1000000x64xf32, #tpu.memory_space<hbm>> -> memref<128x64xf32, #tpu.memory_space<hbm>>
      %dma_wait3A_120 = arith.constant 0 : i32
      %dma_wait3A_121 = arith.constant 0 : i32
      %dma_wait3A_122 = tpu.memref_slice %arg7[%dma_wait3A_120, %dma_wait3A_121] : memref<640x64xf32, #tpu.memory_space<vmem>> -> memref<128x64xf32, #tpu.memory_space<vmem>>
      %dma_wait3A_123 = arith.constant 0 : i32
      %dma_wait3A_124 = arith.constant 0 : i32
      %dma_wait3A_125 = tpu.memref_slice %arg3[%dma_wait3A_123, %dma_wait3A_124] : memref<1000000x64xf32, #tpu.memory_space<hbm>> -> memref<128x64xf32, #tpu.memory_space<hbm>>
      tpu.wait_dma2 semaphore(%arg9 : memref<!tpu.dma_semaphore, #tpu.memory_space<semaphore_mem>>) src(%dma_wait3A_125 : memref<128x64xf32, #tpu.memory_space<hbm>>) dst(%dma_wait3A_122 : memref<128x64xf32, #tpu.memory_space<vmem>>)
      %dma_wait3A_126 = arith.constant 128 : i32
      %dma_wait3A_127 = arith.constant 0 : i32
      %dma_wait3A_128 = tpu.memref_slice %arg7[%dma_wait3A_126, %dma_wait3A_127] : memref<640x64xf32, #tpu.memory_space<vmem>> -> memref<128x64xf32, #tpu.memory_space<vmem>>
      %dma_wait3A_129 = arith.constant 0 : i32
      %dma_wait3A_130 = arith.constant 0 : i32
      %dma_wait3A_131 = tpu.memref_slice %arg3[%dma_wait3A_129, %dma_wait3A_130] : memref<1000000x64xf32, #tpu.memory_space<hbm>> -> memref<128x64xf32, #tpu.memory_space<hbm>>
      %dma_wait3A_132 = arith.constant 128 : i32
      %dma_wait3A_133 = arith.constant 0 : i32
      %dma_wait3A_134 = tpu.memref_slice %arg7[%dma_wait3A_132, %dma_wait3A_133] : memref<640x64xf32, #tpu.memory_space<vmem>> -> memref<128x64xf32, #tpu.memory_space<vmem>>
      %dma_wait3A_135 = arith.constant 0 : i32
      %dma_wait3A_136 = arith.constant 0 : i32
      %dma_wait3A_137 = tpu.memref_slice %arg3[%dma_wait3A_135, %dma_wait3A_136] : memref<1000000x64xf32, #tpu.memory_space<hbm>> -> memref<128x64xf32, #tpu.memory_space<hbm>>
      tpu.wait_dma2 semaphore(%arg9 : memref<!tpu.dma_semaphore, #tpu.memory_space<semaphore_mem>>) src(%dma_wait3A_137 : memref<128x64xf32, #tpu.memory_space<hbm>>) dst(%dma_wait3A_134 : memref<128x64xf32, #tpu.memory_space<vmem>>)
      %dma_wait3A_138 = arith.constant 256 : i32
      %dma_wait3A_139 = arith.constant 0 : i32
      %dma_wait3A_140 = tpu.memref_slice %arg7[%dma_wait3A_138, %dma_wait3A_139] : memref<640x64xf32, #tpu.memory_space<vmem>> -> memref<128x64xf32, #tpu.memory_space<vmem>>
      %dma_wait3A_141 = arith.constant 0 : i32
      %dma_wait3A_142 = arith.constant 0 : i32
      %dma_wait3A_143 = tpu.memref_slice %arg3[%dma_wait3A_141, %dma_wait3A_142] : memref<1000000x64xf32, #tpu.memory_space<hbm>> -> memref<128x64xf32, #tpu.memory_space<hbm>>
      %dma_wait3A_144 = arith.constant 256 : i32
      %dma_wait3A_145 = arith.constant 0 : i32
      %dma_wait3A_146 = tpu.memref_slice %arg7[%dma_wait3A_144, %dma_wait3A_145] : memref<640x64xf32, #tpu.memory_space<vmem>> -> memref<128x64xf32, #tpu.memory_space<vmem>>
      %dma_wait3A_147 = arith.constant 0 : i32
      %dma_wait3A_148 = arith.constant 0 : i32
      %dma_wait3A_149 = tpu.memref_slice %arg3[%dma_wait3A_147, %dma_wait3A_148] : memref<1000000x64xf32, #tpu.memory_space<hbm>> -> memref<128x64xf32, #tpu.memory_space<hbm>>
      tpu.wait_dma2 semaphore(%arg9 : memref<!tpu.dma_semaphore, #tpu.memory_space<semaphore_mem>>) src(%dma_wait3A_149 : memref<128x64xf32, #tpu.memory_space<hbm>>) dst(%dma_wait3A_146 : memref<128x64xf32, #tpu.memory_space<vmem>>)
      %dma_wait3A_150 = arith.constant 384 : i32
      %dma_wait3A_151 = arith.constant 0 : i32
      %dma_wait3A_152 = tpu.memref_slice %arg7[%dma_wait3A_150, %dma_wait3A_151] : memref<640x64xf32, #tpu.memory_space<vmem>> -> memref<128x64xf32, #tpu.memory_space<vmem>>
      %dma_wait3A_153 = arith.constant 0 : i32
      %dma_wait3A_154 = arith.constant 0 : i32
      %dma_wait3A_155 = tpu.memref_slice %arg3[%dma_wait3A_153, %dma_wait3A_154] : memref<1000000x64xf32, #tpu.memory_space<hbm>> -> memref<128x64xf32, #tpu.memory_space<hbm>>
      %dma_wait3A_156 = arith.constant 384 : i32
      %dma_wait3A_157 = arith.constant 0 : i32
      %dma_wait3A_158 = tpu.memref_slice %arg7[%dma_wait3A_156, %dma_wait3A_157] : memref<640x64xf32, #tpu.memory_space<vmem>> -> memref<128x64xf32, #tpu.memory_space<vmem>>
      %dma_wait3A_159 = arith.constant 0 : i32
      %dma_wait3A_160 = arith.constant 0 : i32
      %dma_wait3A_161 = tpu.memref_slice %arg3[%dma_wait3A_159, %dma_wait3A_160] : memref<1000000x64xf32, #tpu.memory_space<hbm>> -> memref<128x64xf32, #tpu.memory_space<hbm>>
      tpu.wait_dma2 semaphore(%arg9 : memref<!tpu.dma_semaphore, #tpu.memory_space<semaphore_mem>>) src(%dma_wait3A_161 : memref<128x64xf32, #tpu.memory_space<hbm>>) dst(%dma_wait3A_158 : memref<128x64xf32, #tpu.memory_space<vmem>>)
      %dma_wait3A_162 = arith.constant 512 : i32
      %dma_wait3A_163 = arith.constant 0 : i32
      %dma_wait3A_164 = tpu.memref_slice %arg7[%dma_wait3A_162, %dma_wait3A_163] : memref<640x64xf32, #tpu.memory_space<vmem>> -> memref<128x64xf32, #tpu.memory_space<vmem>>
      %dma_wait3A_165 = arith.constant 0 : i32
      %dma_wait3A_166 = arith.constant 0 : i32
      %dma_wait3A_167 = tpu.memref_slice %arg3[%dma_wait3A_165, %dma_wait3A_166] : memref<1000000x64xf32, #tpu.memory_space<hbm>> -> memref<128x64xf32, #tpu.memory_space<hbm>>
      %dma_wait3A_168 = arith.constant 512 : i32
      %dma_wait3A_169 = arith.constant 0 : i32
      %dma_wait3A_170 = tpu.memref_slice %arg7[%dma_wait3A_168, %dma_wait3A_169] : memref<640x64xf32, #tpu.memory_space<vmem>> -> memref<128x64xf32, #tpu.memory_space<vmem>>
      %dma_wait3A_171 = arith.constant 0 : i32
      %dma_wait3A_172 = arith.constant 0 : i32
      %dma_wait3A_173 = tpu.memref_slice %arg3[%dma_wait3A_171, %dma_wait3A_172] : memref<1000000x64xf32, #tpu.memory_space<hbm>> -> memref<128x64xf32, #tpu.memory_space<hbm>>
      tpu.wait_dma2 semaphore(%arg9 : memref<!tpu.dma_semaphore, #tpu.memory_space<semaphore_mem>>) src(%dma_wait3A_173 : memref<128x64xf32, #tpu.memory_space<hbm>>) dst(%dma_wait3A_170 : memref<128x64xf32, #tpu.memory_space<vmem>>)
      %mul3A_174 = arith.constant 128 : i32
      %mul3A_175 = arith.muli %add3A_62, %mul3A_174 : i32
      "tpu.region"() ({
        %run_scoped3A = tpu.sem_alloc : memref<!tpu.dma_semaphore, #tpu.memory_space<semaphore_mem>>
        %dma_start3A_242 = arith.constant 0 : i32
        %dma_start3A_243 = tpu.memref_slice %arg4[%mul3A_175, %dma_start3A_242] : memref<819200x64xf32, #tpu.memory_space<hbm>> -> memref<640x64xf32, #tpu.memory_space<hbm>>
        %dma_start3A_244 = arith.constant 0 : i32
        %dma_start3A_245 = tpu.memref_slice %arg4[%mul3A_175, %dma_start3A_244] : memref<819200x64xf32, #tpu.memory_space<hbm>> -> memref<640x64xf32, #tpu.memory_space<hbm>>
        tpu.enqueue_dma source(%arg7 : memref<640x64xf32, #tpu.memory_space<vmem>>) target(%dma_start3A_245 : memref<640x64xf32, #tpu.memory_space<hbm>>) target_semaphore(%run_scoped3A : memref<!tpu.dma_semaphore, #tpu.memory_space<semaphore_mem>>)
        %dma_wait3A_246 = arith.constant 0 : i32
        %dma_wait3A_247 = tpu.memref_slice %arg4[%mul3A_175, %dma_wait3A_246] : memref<819200x64xf32, #tpu.memory_space<hbm>> -> memref<640x64xf32, #tpu.memory_space<hbm>>
        %dma_wait3A_248 = arith.constant 0 : i32
        %dma_wait3A_249 = tpu.memref_slice %arg4[%mul3A_175, %dma_wait3A_248] : memref<819200x64xf32, #tpu.memory_space<hbm>> -> memref<640x64xf32, #tpu.memory_space<hbm>>
        tpu.wait_dma2 semaphore(%run_scoped3A : memref<!tpu.dma_semaphore, #tpu.memory_space<semaphore_mem>>) src(%arg7 : memref<640x64xf32, #tpu.memory_space<vmem>>) dst(%dma_wait3A_249 : memref<640x64xf32, #tpu.memory_space<hbm>>)
        tpu.yield
      }) : () -> ()
      %lt3A = arith.constant 19 : i32
      %lt3A_176 = arith.cmpi slt, %scan3A_57, %lt3A : i32
      %convert_element_type3A = arith.extui %lt3A_176 : i1 to i32
      %cond3A = arith.constant 0 : i32
      %cond3A_177 = arith.cmpi ne, %convert_element_type3A, %cond3A : i32
      scf.if %cond3A_177 {
        %add3A_242 = arith.constant 10 : i32
        %add3A_243 = arith.addi %add3A_62, %add3A_242 : i32
        "tpu.region"() ({
          %run_scoped3A = tpu.sem_alloc : memref<!tpu.dma_semaphore, #tpu.memory_space<semaphore_mem>>
          %dma_start3A_294 = arith.constant 0 : i32
          %dma_start3A_295 = tpu.memref_slice %arg2[%add3A_243, %dma_start3A_294] : memref<6400x128xi32, #tpu.memory_space<hbm>> -> memref<5x128xi32, #tpu.memory_space<hbm>>
          %dma_start3A_296 = arith.constant 0 : i32
          %dma_start3A_297 = tpu.memref_slice %arg2[%add3A_243, %dma_start3A_296] : memref<6400x128xi32, #tpu.memory_space<hbm>> -> memref<5x128xi32, #tpu.memory_space<hbm>>
          tpu.enqueue_dma source(%dma_start3A_297 : memref<5x128xi32, #tpu.memory_space<hbm>>) target(%arg5 : memref<5x128xi32, #tpu.memory_space<vmem>>) target_semaphore(%run_scoped3A : memref<!tpu.dma_semaphore, #tpu.memory_space<semaphore_mem>>)
          %dma_wait3A_298 = arith.constant 0 : i32
          %dma_wait3A_299 = tpu.memref_slice %arg2[%add3A_243, %dma_wait3A_298] : memref<6400x128xi32, #tpu.memory_space<hbm>> -> memref<5x128xi32, #tpu.memory_space<hbm>>
          %dma_wait3A_300 = arith.constant 0 : i32
          %dma_wait3A_301 = tpu.memref_slice %arg2[%add3A_243, %dma_wait3A_300] : memref<6400x128xi32, #tpu.memory_space<hbm>> -> memref<5x128xi32, #tpu.memory_space<hbm>>
          tpu.wait_dma2 semaphore(%run_scoped3A : memref<!tpu.dma_semaphore, #tpu.memory_space<semaphore_mem>>) src(%dma_wait3A_301 : memref<5x128xi32, #tpu.memory_space<hbm>>) dst(%arg5 : memref<5x128xi32, #tpu.memory_space<vmem>>)
          tpu.yield
        }) : () -> ()
        %dma_start3A_244 = arith.constant 0 : i32
        %dma_start3A_245 = arith.constant 0 : i32
        %dma_start3A_246 = arith.constant 0 : i32
        %dma_start3A_247 = tpu.memref_slice %arg7[%dma_start3A_245, %dma_start3A_246] : memref<640x64xf32, #tpu.memory_space<vmem>> -> memref<128x64xf32, #tpu.memory_space<vmem>>
        %dma_start3A_248 = arith.constant 0 : i32
        %dma_start3A_249 = tpu.memref_slice %arg5[%dma_start3A_244, %dma_start3A_248] : memref<5x128xi32, #tpu.memory_space<vmem>> -> memref<1x128xi32, #tpu.memory_space<vmem>>
        %dma_start3A_250 = tpu.memref_squeeze %dma_start3A_249 : memref<1x128xi32, #tpu.memory_space<vmem>> -> memref<128xi32, #tpu.memory_space<vmem>>
        %dma_start3A_251 = arith.constant 0 : i32
        %dma_start3A_252 = arith.constant 0 : i32
        %dma_start3A_253 = tpu.memref_slice %arg3[%dma_start3A_251, %dma_start3A_252] : memref<1000000x64xf32, #tpu.memory_space<hbm>> -> memref<1000000x64xf32, #tpu.memory_space<hbm>>
        tpu.enqueue_indirect_dma source(%dma_start3A_253 : memref<1000000x64xf32, #tpu.memory_space<hbm>>) target(%dma_start3A_247 : memref<128x64xf32, #tpu.memory_space<vmem>>) offsets(%dma_start3A_250 : memref<128xi32, #tpu.memory_space<vmem>>) semaphore(%arg9 : memref<!tpu.dma_semaphore, #tpu.memory_space<semaphore_mem>>)
        %dma_start3A_254 = arith.constant 1 : i32
        %dma_start3A_255 = arith.constant 128 : i32
        %dma_start3A_256 = arith.constant 0 : i32
        %dma_start3A_257 = tpu.memref_slice %arg7[%dma_start3A_255, %dma_start3A_256] : memref<640x64xf32, #tpu.memory_space<vmem>> -> memref<128x64xf32, #tpu.memory_space<vmem>>
        %dma_start3A_258 = arith.constant 0 : i32
        %dma_start3A_259 = tpu.memref_slice %arg5[%dma_start3A_254, %dma_start3A_258] : memref<5x128xi32, #tpu.memory_space<vmem>> -> memref<1x128xi32, #tpu.memory_space<vmem>>
        %dma_start3A_260 = tpu.memref_squeeze %dma_start3A_259 : memref<1x128xi32, #tpu.memory_space<vmem>> -> memref<128xi32, #tpu.memory_space<vmem>>
        %dma_start3A_261 = arith.constant 0 : i32
        %dma_start3A_262 = arith.constant 0 : i32
        %dma_start3A_263 = tpu.memref_slice %arg3[%dma_start3A_261, %dma_start3A_262] : memref<1000000x64xf32, #tpu.memory_space<hbm>> -> memref<1000000x64xf32, #tpu.memory_space<hbm>>
        tpu.enqueue_indirect_dma source(%dma_start3A_263 : memref<1000000x64xf32, #tpu.memory_space<hbm>>) target(%dma_start3A_257 : memref<128x64xf32, #tpu.memory_space<vmem>>) offsets(%dma_start3A_260 : memref<128xi32, #tpu.memory_space<vmem>>) semaphore(%arg9 : memref<!tpu.dma_semaphore, #tpu.memory_space<semaphore_mem>>)
        %dma_start3A_264 = arith.constant 2 : i32
        %dma_start3A_265 = arith.constant 256 : i32
        %dma_start3A_266 = arith.constant 0 : i32
        %dma_start3A_267 = tpu.memref_slice %arg7[%dma_start3A_265, %dma_start3A_266] : memref<640x64xf32, #tpu.memory_space<vmem>> -> memref<128x64xf32, #tpu.memory_space<vmem>>
        %dma_start3A_268 = arith.constant 0 : i32
        %dma_start3A_269 = tpu.memref_slice %arg5[%dma_start3A_264, %dma_start3A_268] : memref<5x128xi32, #tpu.memory_space<vmem>> -> memref<1x128xi32, #tpu.memory_space<vmem>>
        %dma_start3A_270 = tpu.memref_squeeze %dma_start3A_269 : memref<1x128xi32, #tpu.memory_space<vmem>> -> memref<128xi32, #tpu.memory_space<vmem>>
        %dma_start3A_271 = arith.constant 0 : i32
        %dma_start3A_272 = arith.constant 0 : i32
        %dma_start3A_273 = tpu.memref_slice %arg3[%dma_start3A_271, %dma_start3A_272] : memref<1000000x64xf32, #tpu.memory_space<hbm>> -> memref<1000000x64xf32, #tpu.memory_space<hbm>>
        tpu.enqueue_indirect_dma source(%dma_start3A_273 : memref<1000000x64xf32, #tpu.memory_space<hbm>>) target(%dma_start3A_267 : memref<128x64xf32, #tpu.memory_space<vmem>>) offsets(%dma_start3A_270 : memref<128xi32, #tpu.memory_space<vmem>>) semaphore(%arg9 : memref<!tpu.dma_semaphore, #tpu.memory_space<semaphore_mem>>)
        %dma_start3A_274 = arith.constant 3 : i32
        %dma_start3A_275 = arith.constant 384 : i32
        %dma_start3A_276 = arith.constant 0 : i32
        %dma_start3A_277 = tpu.memref_slice %arg7[%dma_start3A_275, %dma_start3A_276] : memref<640x64xf32, #tpu.memory_space<vmem>> -> memref<128x64xf32, #tpu.memory_space<vmem>>
        %dma_start3A_278 = arith.constant 0 : i32
        %dma_start3A_279 = tpu.memref_slice %arg5[%dma_start3A_274, %dma_start3A_278] : memref<5x128xi32, #tpu.memory_space<vmem>> -> memref<1x128xi32, #tpu.memory_space<vmem>>
        %dma_start3A_280 = tpu.memref_squeeze %dma_start3A_279 : memref<1x128xi32, #tpu.memory_space<vmem>> -> memref<128xi32, #tpu.memory_space<vmem>>
        %dma_start3A_281 = arith.constant 0 : i32
        %dma_start3A_282 = arith.constant 0 : i32
        %dma_start3A_283 = tpu.memref_slice %arg3[%dma_start3A_281, %dma_start3A_282] : memref<1000000x64xf32, #tpu.memory_space<hbm>> -> memref<1000000x64xf32, #tpu.memory_space<hbm>>
        tpu.enqueue_indirect_dma source(%dma_start3A_283 : memref<1000000x64xf32, #tpu.memory_space<hbm>>) target(%dma_start3A_277 : memref<128x64xf32, #tpu.memory_space<vmem>>) offsets(%dma_start3A_280 : memref<128xi32, #tpu.memory_space<vmem>>) semaphore(%arg9 : memref<!tpu.dma_semaphore, #tpu.memory_space<semaphore_mem>>)
        %dma_start3A_284 = arith.constant 4 : i32
        %dma_start3A_285 = arith.constant 512 : i32
        %dma_start3A_286 = arith.constant 0 : i32
        %dma_start3A_287 = tpu.memref_slice %arg7[%dma_start3A_285, %dma_start3A_286] : memref<640x64xf32, #tpu.memory_space<vmem>> -> memref<128x64xf32, #tpu.memory_space<vmem>>
        %dma_start3A_288 = arith.constant 0 : i32
        %dma_start3A_289 = tpu.memref_slice %arg5[%dma_start3A_284, %dma_start3A_288] : memref<5x128xi32, #tpu.memory_space<vmem>> -> memref<1x128xi32, #tpu.memory_space<vmem>>
        %dma_start3A_290 = tpu.memref_squeeze %dma_start3A_289 : memref<1x128xi32, #tpu.memory_space<vmem>> -> memref<128xi32, #tpu.memory_space<vmem>>
        %dma_start3A_291 = arith.constant 0 : i32
        %dma_start3A_292 = arith.constant 0 : i32
        %dma_start3A_293 = tpu.memref_slice %arg3[%dma_start3A_291, %dma_start3A_292] : memref<1000000x64xf32, #tpu.memory_space<hbm>> -> memref<1000000x64xf32, #tpu.memory_space<hbm>>
        tpu.enqueue_indirect_dma source(%dma_start3A_293 : memref<1000000x64xf32, #tpu.memory_space<hbm>>) target(%dma_start3A_287 : memref<128x64xf32, #tpu.memory_space<vmem>>) offsets(%dma_start3A_290 : memref<128xi32, #tpu.memory_space<vmem>>) semaphore(%arg9 : memref<!tpu.dma_semaphore, #tpu.memory_space<semaphore_mem>>)
      } else {
      }
      %add3A_178 = arith.constant 5 : i32
      %add3A_179 = arith.addi %add3A_62, %add3A_178 : i32
      %dma_wait3A_180 = arith.constant 0 : i32
      %dma_wait3A_181 = arith.constant 0 : i32
      %dma_wait3A_182 = tpu.memref_slice %arg8[%dma_wait3A_180, %dma_wait3A_181] : memref<640x64xf32, #tpu.memory_space<vmem>> -> memref<128x64xf32, #tpu.memory_space<vmem>>
      %dma_wait3A_183 = arith.constant 0 : i32
      %dma_wait3A_184 = arith.constant 0 : i32
      %dma_wait3A_185 = tpu.memref_slice %arg3[%dma_wait3A_183, %dma_wait3A_184] : memref<1000000x64xf32, #tpu.memory_space<hbm>> -> memref<128x64xf32, #tpu.memory_space<hbm>>
      %dma_wait3A_186 = arith.constant 0 : i32
      %dma_wait3A_187 = arith.constant 0 : i32
      %dma_wait3A_188 = tpu.memref_slice %arg8[%dma_wait3A_186, %dma_wait3A_187] : memref<640x64xf32, #tpu.memory_space<vmem>> -> memref<128x64xf32, #tpu.memory_space<vmem>>
      %dma_wait3A_189 = arith.constant 0 : i32
      %dma_wait3A_190 = arith.constant 0 : i32
      %dma_wait3A_191 = tpu.memref_slice %arg3[%dma_wait3A_189, %dma_wait3A_190] : memref<1000000x64xf32, #tpu.memory_space<hbm>> -> memref<128x64xf32, #tpu.memory_space<hbm>>
      tpu.wait_dma2 semaphore(%arg10 : memref<!tpu.dma_semaphore, #tpu.memory_space<semaphore_mem>>) src(%dma_wait3A_191 : memref<128x64xf32, #tpu.memory_space<hbm>>) dst(%dma_wait3A_188 : memref<128x64xf32, #tpu.memory_space<vmem>>)
      %dma_wait3A_192 = arith.constant 128 : i32
      %dma_wait3A_193 = arith.constant 0 : i32
      %dma_wait3A_194 = tpu.memref_slice %arg8[%dma_wait3A_192, %dma_wait3A_193] : memref<640x64xf32, #tpu.memory_space<vmem>> -> memref<128x64xf32, #tpu.memory_space<vmem>>
      %dma_wait3A_195 = arith.constant 0 : i32
      %dma_wait3A_196 = arith.constant 0 : i32
      %dma_wait3A_197 = tpu.memref_slice %arg3[%dma_wait3A_195, %dma_wait3A_196] : memref<1000000x64xf32, #tpu.memory_space<hbm>> -> memref<128x64xf32, #tpu.memory_space<hbm>>
      %dma_wait3A_198 = arith.constant 128 : i32
      %dma_wait3A_199 = arith.constant 0 : i32
      %dma_wait3A_200 = tpu.memref_slice %arg8[%dma_wait3A_198, %dma_wait3A_199] : memref<640x64xf32, #tpu.memory_space<vmem>> -> memref<128x64xf32, #tpu.memory_space<vmem>>
      %dma_wait3A_201 = arith.constant 0 : i32
      %dma_wait3A_202 = arith.constant 0 : i32
      %dma_wait3A_203 = tpu.memref_slice %arg3[%dma_wait3A_201, %dma_wait3A_202] : memref<1000000x64xf32, #tpu.memory_space<hbm>> -> memref<128x64xf32, #tpu.memory_space<hbm>>
      tpu.wait_dma2 semaphore(%arg10 : memref<!tpu.dma_semaphore, #tpu.memory_space<semaphore_mem>>) src(%dma_wait3A_203 : memref<128x64xf32, #tpu.memory_space<hbm>>) dst(%dma_wait3A_200 : memref<128x64xf32, #tpu.memory_space<vmem>>)
      %dma_wait3A_204 = arith.constant 256 : i32
      %dma_wait3A_205 = arith.constant 0 : i32
      %dma_wait3A_206 = tpu.memref_slice %arg8[%dma_wait3A_204, %dma_wait3A_205] : memref<640x64xf32, #tpu.memory_space<vmem>> -> memref<128x64xf32, #tpu.memory_space<vmem>>
      %dma_wait3A_207 = arith.constant 0 : i32
      %dma_wait3A_208 = arith.constant 0 : i32
      %dma_wait3A_209 = tpu.memref_slice %arg3[%dma_wait3A_207, %dma_wait3A_208] : memref<1000000x64xf32, #tpu.memory_space<hbm>> -> memref<128x64xf32, #tpu.memory_space<hbm>>
      %dma_wait3A_210 = arith.constant 256 : i32
      %dma_wait3A_211 = arith.constant 0 : i32
      %dma_wait3A_212 = tpu.memref_slice %arg8[%dma_wait3A_210, %dma_wait3A_211] : memref<640x64xf32, #tpu.memory_space<vmem>> -> memref<128x64xf32, #tpu.memory_space<vmem>>
      %dma_wait3A_213 = arith.constant 0 : i32
      %dma_wait3A_214 = arith.constant 0 : i32
      %dma_wait3A_215 = tpu.memref_slice %arg3[%dma_wait3A_213, %dma_wait3A_214] : memref<1000000x64xf32, #tpu.memory_space<hbm>> -> memref<128x64xf32, #tpu.memory_space<hbm>>
      tpu.wait_dma2 semaphore(%arg10 : memref<!tpu.dma_semaphore, #tpu.memory_space<semaphore_mem>>) src(%dma_wait3A_215 : memref<128x64xf32, #tpu.memory_space<hbm>>) dst(%dma_wait3A_212 : memref<128x64xf32, #tpu.memory_space<vmem>>)
      %dma_wait3A_216 = arith.constant 384 : i32
      %dma_wait3A_217 = arith.constant 0 : i32
      %dma_wait3A_218 = tpu.memref_slice %arg8[%dma_wait3A_216, %dma_wait3A_217] : memref<640x64xf32, #tpu.memory_space<vmem>> -> memref<128x64xf32, #tpu.memory_space<vmem>>
      %dma_wait3A_219 = arith.constant 0 : i32
      %dma_wait3A_220 = arith.constant 0 : i32
      %dma_wait3A_221 = tpu.memref_slice %arg3[%dma_wait3A_219, %dma_wait3A_220] : memref<1000000x64xf32, #tpu.memory_space<hbm>> -> memref<128x64xf32, #tpu.memory_space<hbm>>
      %dma_wait3A_222 = arith.constant 384 : i32
      %dma_wait3A_223 = arith.constant 0 : i32
      %dma_wait3A_224 = tpu.memref_slice %arg8[%dma_wait3A_222, %dma_wait3A_223] : memref<640x64xf32, #tpu.memory_space<vmem>> -> memref<128x64xf32, #tpu.memory_space<vmem>>
      %dma_wait3A_225 = arith.constant 0 : i32
      %dma_wait3A_226 = arith.constant 0 : i32
      %dma_wait3A_227 = tpu.memref_slice %arg3[%dma_wait3A_225, %dma_wait3A_226] : memref<1000000x64xf32, #tpu.memory_space<hbm>> -> memref<128x64xf32, #tpu.memory_space<hbm>>
      tpu.wait_dma2 semaphore(%arg10 : memref<!tpu.dma_semaphore, #tpu.memory_space<semaphore_mem>>) src(%dma_wait3A_227 : memref<128x64xf32, #tpu.memory_space<hbm>>) dst(%dma_wait3A_224 : memref<128x64xf32, #tpu.memory_space<vmem>>)
      %dma_wait3A_228 = arith.constant 512 : i32
      %dma_wait3A_229 = arith.constant 0 : i32
      %dma_wait3A_230 = tpu.memref_slice %arg8[%dma_wait3A_228, %dma_wait3A_229] : memref<640x64xf32, #tpu.memory_space<vmem>> -> memref<128x64xf32, #tpu.memory_space<vmem>>
      %dma_wait3A_231 = arith.constant 0 : i32
      %dma_wait3A_232 = arith.constant 0 : i32
      %dma_wait3A_233 = tpu.memref_slice %arg3[%dma_wait3A_231, %dma_wait3A_232] : memref<1000000x64xf32, #tpu.memory_space<hbm>> -> memref<128x64xf32, #tpu.memory_space<hbm>>
      %dma_wait3A_234 = arith.constant 512 : i32
      %dma_wait3A_235 = arith.constant 0 : i32
      %dma_wait3A_236 = tpu.memref_slice %arg8[%dma_wait3A_234, %dma_wait3A_235] : memref<640x64xf32, #tpu.memory_space<vmem>> -> memref<128x64xf32, #tpu.memory_space<vmem>>
      %dma_wait3A_237 = arith.constant 0 : i32
      %dma_wait3A_238 = arith.constant 0 : i32
      %dma_wait3A_239 = tpu.memref_slice %arg3[%dma_wait3A_237, %dma_wait3A_238] : memref<1000000x64xf32, #tpu.memory_space<hbm>> -> memref<128x64xf32, #tpu.memory_space<hbm>>
      tpu.wait_dma2 semaphore(%arg10 : memref<!tpu.dma_semaphore, #tpu.memory_space<semaphore_mem>>) src(%dma_wait3A_239 : memref<128x64xf32, #tpu.memory_space<hbm>>) dst(%dma_wait3A_236 : memref<128x64xf32, #tpu.memory_space<vmem>>)
      %mul3A_240 = arith.constant 128 : i32
      %mul3A_241 = arith.muli %add3A_179, %mul3A_240 : i32
      "tpu.region"() ({
        %run_scoped3A = tpu.sem_alloc : memref<!tpu.dma_semaphore, #tpu.memory_space<semaphore_mem>>
        %dma_start3A_242 = arith.constant 0 : i32
        %dma_start3A_243 = tpu.memref_slice %arg4[%mul3A_241, %dma_start3A_242] : memref<819200x64xf32, #tpu.memory_space<hbm>> -> memref<640x64xf32, #tpu.memory_space<hbm>>
        %dma_start3A_244 = arith.constant 0 : i32
        %dma_start3A_245 = tpu.memref_slice %arg4[%mul3A_241, %dma_start3A_244] : memref<819200x64xf32, #tpu.memory_space<hbm>> -> memref<640x64xf32, #tpu.memory_space<hbm>>
        tpu.enqueue_dma source(%arg8 : memref<640x64xf32, #tpu.memory_space<vmem>>) target(%dma_start3A_245 : memref<640x64xf32, #tpu.memory_space<hbm>>) target_semaphore(%run_scoped3A : memref<!tpu.dma_semaphore, #tpu.memory_space<semaphore_mem>>)
        %dma_wait3A_246 = arith.constant 0 : i32
        %dma_wait3A_247 = tpu.memref_slice %arg4[%mul3A_241, %dma_wait3A_246] : memref<819200x64xf32, #tpu.memory_space<hbm>> -> memref<640x64xf32, #tpu.memory_space<hbm>>
        %dma_wait3A_248 = arith.constant 0 : i32
        %dma_wait3A_249 = tpu.memref_slice %arg4[%mul3A_241, %dma_wait3A_248] : memref<819200x64xf32, #tpu.memory_space<hbm>> -> memref<640x64xf32, #tpu.memory_space<hbm>>
        tpu.wait_dma2 semaphore(%run_scoped3A : memref<!tpu.dma_semaphore, #tpu.memory_space<semaphore_mem>>) src(%arg8 : memref<640x64xf32, #tpu.memory_space<vmem>>) dst(%dma_wait3A_249 : memref<640x64xf32, #tpu.memory_space<hbm>>)
        tpu.yield
      }) : () -> ()
    }
    %scan3A_56 = arith.constant 20 : i32
    return
  }
}

</mosaic_0001>

<sc_bundles>
// kernel: _sc_gather.3.cloned.1.call-start
scs
__scs_entry_jumppad:
0x0: {  	(pc) =	sbr.rel $0x88, $3  }
0x1: {  	(tag) =	ssettag $0x0;
	lr =	simm.s32 $0x1  }
0x2: {  	[smem:$0x3F9F] =	sst lr;
	_ =	strace $0xD0000000  }
0x3: {  	_ = 	snop  }
0x4: {  	_ = 	snop  }
0x5: {  	_ = 	snop  }
0x6: {  	_ = 	snop  }
0x7: {  	_ = 	snop  }
__scs_overlays_trampoline_lowered:
0x8: {  	[smem:$0x3FAE] =	sst s0  }
0x9: {  	[smem:$0x3FAF] =	sst s1  }
0xa: {  	[smem:$0x3FB0] =	sst s2  }
0xb: {  	[smem:$0x3FB1] =	sst s3  }
0xc: {  	[smem:$0x3FB2] =	sst s4  }
0xd: {  	[smem:$0x3FB3] =	sst s5  }
0xe: {  	[smem:$0x3FB4] =	sst s6  }
0xf: {  	[smem:$0x3FB5] =	sst s7  }
0x10: {  	[smem:$0x3FB6] =	sst s8  }
0x11: {  	[smem:$0x3FB7] =	sst s9;
	s0 =	simm.s32 @!p0 $0x0  }
0x12: {  	s1 =	sld [smem:$0x3F9D];
	s0 =	simm.s32 @p0 $0x1  }
0x13: {  	[smem:$0x3FB8] =	sst s0;
	s0 =	simm.s32 @!p1 $0x0  }
0x14: {  	s2 =	sld [smem:$0x3F9C];
	s0 =	simm.s32 @p1 $0x1  }
0x15: {  	[smem:$0x3FB9] =	sst s0;
	s0 =	simm.s32 @!p2 $0x0  }
0x16: {  	s3 =	sld [smem:$0x3FDB];
	s0 =	simm.s32 @p2 $0x1  }
0x17: {  	s4 =	simm.s32 $0x1BF5;
	[smem:$0x3FBB] =	sst s0  }
0x18: {  	s0 =	sld [smem:$0x3F9E];
	_ =	swait.ge [sflag:s4], $0x0  }
0x19: {  	s7 =	sld [smem:$0x3F9F]  }
0x1a: {  	s8 =	sadd.s32 $0xFFFFE003, lr  }
0x1b: {  	s9 =	sadd.s32 $0xFFFFFEF7, lr;
	s5 =	simm.s32 $0xFFFFFFFF;
	p2 =	slt.u32 s8, $0xFFFFF086  }
0x1c: {  	p1 =	slt.u32 s9, $0xF7A;
	s5 =	simm.s32 @!p2 $0x0  }
0x1d: {  	s5 =	simm.s32 @p1 $0x1;
	p0 =	seq.s32 s7, s2  }
0x1e: {  	s7 =	smul.u32 @!p0 $0xF7A, s2;
	p2 =	seq.s32 @!p0 s5, $0x0  }
0x1f: {  	s9 =	smul.u32 $0xF7A, s1;
	s8 =	simm.s32 @!p0 $0x1BF5;
	p2 =	por !p2, p0  }
0x20: {  	[sflag:s8] =	ssyncset.s32 @!p0 $0xFFFFF086;
	s6 =	sadd.s32 @!p0 s3, s7;
	s7 =	simm.s32 @!p0 $0x108  }
0x21: {  	s3 =	sadd.s32 s3, s9;
	s6 =	sadd.s32 @!p0 $0x88, s6;
	s7 =	simm.s32 @p2 $0x1082  }
0x22: {  	[simem:s7], [sflag:s8] =	dma.local @!p0 [hbm:s6], $0xF7A  }
0x23: {  	s9 =	sor.u32 $0xD0000000, s2;
	s6 =	simm.s32 $0x108;
	_ =	swait.ge @!p0 [sflag:s8], $0x0  }
0x24: {  	s3 =	sadd.s32 $0x88, s3;
	s6 =	simm.s32 @!p1 $0x1082;
	[sflag:s4] =	ssyncset.s32 $0xFFFFF086  }
0x25: {  	[simem:s6], [sflag:s4] =	dma.local [hbm:s3], $0xF7A  }
0x26: {  	[smem:$0x3F9F] =	sst s1;
	(tag) =	ssettag s2;
	_ =	strace s9  }
0x27: {  	s1 =	sld [smem:$0x3FAF]  }
0x28: {  	s2 =	sld [smem:$0x3FB0]  }
0x29: {  	s4 =	sld [smem:$0x3FB2]  }
0x2a: {  	p0 =	seq.s32 s5, $0x0;
	s5 =	sld [smem:$0x3FB3]  }
0x2b: {  	s6 =	sld [smem:$0x3FB4]  }
0x2c: {  	s7 =	sld [smem:$0x3FB5]  }
0x2d: {  	s3 =	simm.s32 $0x108;
	s8 =	sld [smem:$0x3FB6]  }
0x2e: {  	s3 =	simm.s32 @!p0 $0x1082;
	s9 =	sld [smem:$0x3FB7]  }
0x2f: {  	lr =	sadd.s32 s0, s3;
	s0 =	sld [smem:$0x3FAE]  }
0x30: {  	s3 =	sld [smem:$0x3FB1]  }
0x31: {  	[smem:$0x3FBA] =	sst s10  }
0x32: {  	s10 =	sld [smem:$0x3FB8];
	_ =	sdelay $0x3  }
0x33: {  	p0 =	seq.s32 s10, $0x1;
	s10 =	sld [smem:$0x3FBA];
	_ =	sdelay $0x3  }
0x34: {  	[smem:$0x3FBA] =	sst s10  }
0x35: {  	s10 =	sld [smem:$0x3FB9];
	_ =	sdelay $0x3  }
0x36: {  	p1 =	seq.s32 s10, $0x1;
	s10 =	sld [smem:$0x3FBA];
	_ =	sdelay $0x3  }
0x37: {  	[smem:$0x3FBA] =	sst s10  }
0x38: {  	s10 =	sld [smem:$0x3FBB]  }
0x39: {  	_ = 	snop;
	(pc) =	sbr.ind lr, $3  }
0x3a: {  	_ = 	snop  }
0x3b: {  	_ = 	snop  }
0x3c: {  	p2 =	seq.s32 s10, $0x1;
	s10 =	sld [smem:$0x3FBA]  }
0x3d: {  	_ =	shalt  }
0x3e: {  	_ =	shalt  }
0x3f: {  	_ =	shalt  }
0x40: {  	_ =	shalt  }
0x41: {  	_ =	shalt  }
0x42: {  	_ =	shalt  }
0x43: {  	_ =	shalt  }
0x44: {  	_ =	shalt  }
0x45: {  	_ =	shalt  }
0x46: {  	_ =	shalt  }
0x47: {  	_ =	shalt  }
0x48: {  	_ =	shalt  }
0x49: {  	_ =	shalt  }
0x4a: {  	_ =	shalt  }
0x4b: {  	_ =	shalt  }
0x4c: {  	_ =	shalt  }
0x4d: {  	_ =	shalt  }
0x4e: {  	_ =	shalt  }
0x4f: {  	_ =	shalt  }
0x50: {  	_ =	shalt  }
0x51: {  	_ =	shalt  }
0x52: {  	_ =	shalt  }
0x53: {  	_ =	shalt  }
0x54: {  	_ =	shalt  }
0x55: {  	_ =	shalt  }
0x56: {  	_ =	shalt  }
0x57: {  	_ =	shalt  }
0x58: {  	_ =	shalt  }
0x59: {  	_ =	shalt  }
0x5a: {  	_ =	shalt  }
0x5b: {  	_ =	shalt  }
0x5c: {  	_ =	shalt  }
0x5d: {  	_ =	shalt  }
0x5e: {  	_ =	shalt  }
0x5f: {  	_ =	shalt  }
0x60: {  	_ =	shalt  }
0x61: {  	_ =	shalt  }
0x62: {  	_ =	shalt  }
0x63: {  	_ =	shalt  }
0x64: {  	_ =	shalt  }
0x65: {  	_ =	shalt  }
0x66: {  	_ =	shalt  }
0x67: {  	_ =	shalt  }
0x68: {  	_ =	shalt  }
0x69: {  	_ =	shalt  }
0x6a: {  	_ =	shalt  }
0x6b: {  	_ =	shalt  }
0x6c: {  	_ =	shalt  }
0x6d: {  	_ =	shalt  }
0x6e: {  	_ =	shalt  }
0x6f: {  	_ =	shalt  }
0x70: {  	_ =	shalt  }
0x71: {  	_ =	shalt  }
0x72: {  	_ =	shalt  }
0x73: {  	_ =	shalt  }
0x74: {  	_ =	shalt  }
0x75: {  	_ =	shalt  }
0x76: {  	_ =	shalt  }
0x77: {  	_ =	shalt  }
0x78: {  	_ =	shalt  }
0x79: {  	_ =	shalt  }
0x7a: {  	_ =	shalt  }
0x7b: {  	_ =	shalt  }
0x7c: {  	_ =	shalt  }
0x7d: {  	_ =	shalt  }
0x7e: {  	_ =	shalt  }
0x7f: {  	_ =	shalt  }
0x80: {  	_ =	shalt  }
0x81: {  	_ =	shalt  }
0x82: {  	_ =	shalt  }
0x83: {  	_ =	shalt  }
0x84: {  	_ =	shalt  }
0x85: {  	_ =	shalt  }
0x86: {  	_ =	shalt  }
0x87: {  	_ =	shalt  }
.Lfunc_end0:
.L_simem_size_0:
called_computation.1_lowered:
.L_overlay_start_0:
0x88: {  	s2 =	sld [smem:$0x3FD9]  }
0x89: {  	s3 =	sld [smem:$0x3FFE];
	_ =	sdelay $0x1  }
0x8a: {  	s1 =	srdreg.scid  }
0x8b: {  	s0 =	sand.u32 $0x1, s1  }
0x8c: {  	s17 =	sshll.u32 s0, $0xA;
	s2 =	sadd.s32 s3, s2  }
0x8d: {  	s2 =	sadd.s32 s2, s17  }
0x8e: {  	[smem:$0x3FC6] =	sst s2  }
0x8f: {  	_ = 	snop  }
0x90: {  	s2 =	sld [smem:$0x3FC9]  }
0x91: {  	s18 =	sld [smem:$0x3FD0];
	(tm) =	ssettm $0x1  }
0x92: {  	s4 =	sld [smem:$0x3FFB];
	_ =	sdelay $0x3  }
0x93: {  	_ =	strace s4  }
0x94: {  	s4 =	sld [smem:$0x3FFC];
	_ =	sdelay $0x3  }
0x95: {  	_ =	strace s4  }
0x96: {  	s4 =	sld [smem:$0x3FFD];
	_ =	sdelay $0x3  }
0x97: {  	_ =	strace s4  }
0x98: {  	_ =	strace $0x8FFFFFFF  }
0x99: {  	s19 =	sld [smem:$0x3FDB];
	_ =	sdelay $0x1  }
0x9a: {  	s5 =	simm.s32 $_scs_section_size  }
0x9b: {  	s6 =	simm.s32 $_size__tile_overlayer_lowered;
	s7 =	simm.s32 $_tile_overlayer_lowered  }
0x9c: {  	s22 =	simm.s32 $0x1BFF;
	s21 =	sshll.u32 s7, $0x1;
	s4 =	sadd.s32 s5, s19  }
0x9d: {  	s8 =	simm.s32 $0x0;
	s20 =	sshll.u32 s6, $0x1;
	s6 =	sadd.s32 s21, s4  }
0x9e: {  	[timem:s8], [sflag:s22] =	dma.local [hbm:s6], s20  }
0x9f: {  	_ =	swait.ge [sflag:s22], s20  }
0xa0: {  	s5 =	ssub.s32 $0x0, s20;
	[sflag:s22] =	ssyncset.done $0x0  }
0xa1: {  	[sflag:s22] =	ssyncadd.s32 s5;
	_ =	sdelay $0x1  }
0xa2: {  	s23 =	simm.s32 $0x1B8B  }
0xa3: {  	_ =	swait.ge [sflag:s23], $0x1  }
0xa4: {  	[sflag:s23] =	ssyncset.done $0x0  }
0xa5: {  	s25 =	simm.s32 $0x1B8E;
	s24 =	sld [smem:$0x3FFE];
	[sflag:s23] =	ssyncadd.s32 $0xFFFFFFFF  }
0xa6: {  	s26 =	simm.s32 $execute0_lowered;
	[smem:$0x3FD2] =	sst s25  }
0xa7: {  	s6 =	sshll.u32 s26, $0x1;
	_ =	strace $0x80000046;
	[dreg:$0x1] =	wrdreg $0xFFFFFFFF  }
0xa8: {  	s28 =	simm.s32 $_size_execute0_lowered;
	s4 =	sadd.s32 s4, s6;
	[dreg:$0x0] =	wrdreg $0x0  }
0xa9: {  	s6 =	sshll.u32 s28, $0x1;
	[dreg:$0x2] =	wrdreg s4  }
0xaa: {  	[dreg:$0x3] =	wrdreg s6  }
0xab: {  	[dreg:$0x4] =	wrdreg $0xC0  }
0xac: {  	_ =	task [dreg:s8], $0x5FFFF  }
0xad: {  	[dreg:$0x1] =	wrdreg $0xFFFFFFFF  }
0xae: {  	[dreg:$0x0] =	wrdreg $0x60  }
0xaf: {  	[dreg:$0x2] =	wrdreg s2  }
0xb0: {  	[dreg:$0x3] =	wrdreg s24  }
0xb1: {  	[dreg:$0x4] =	wrdreg s18  }
0xb2: {  	[dreg:$0x5] =	wrdreg $0x9  }
0xb3: {  	_ =	task.clear_ibuf [dreg:s8], $0x6FFFF;
	_ =	strace $0x90000046  }
0xb4: {  	s29 =	simm.s32 $0x9;
	_ =	strace $0x80000048  }
0xb5: {  	_ =	swait.ge [sflag:s29], $0x1  }
0xb6: {  	[sflag:s29] =	ssyncadd.s32 $0xFFFFFFFF  }
0xb7: {  	_ =	strace $0x90000048  }
0xb8: {  	_ =	sfence  }
0xb9: {  	s30 =	sld [smem:$0x0];
	_ =	sdelay $0x2  }
0xba: {  	s31 =	sshll.u32 s1, $0xD;
	s1 =	sshrl.u32 s1, $0x2  }
0xbb: {  	s3 =	sand.u32 $0x4000, s31;
	s1 =	sadd.s32 s1, s30  }
0xbc: {  	s0 =	sor.u32 s3, s0;
	s1 =	sshll.u32 s1, $0x11  }
0xbd: {  	s0 =	sor.u32 s1, s0  }
0xbe: {  	s0 =	sadd.s32 $0x8F2B, s0  }
0xbf: {  	[sflag:s0] =	ssyncadd.remote.s32 $0x1  }
0xc0: {  	_ =	sfence.sel $0xFFFF  }
0xc1: {  	[dreg:$0x0] =	wrdreg $0xFFFFFFFF;
	(pc) =	sbr.abs _section_cstart, $3  }
0xc2: {  	[dreg:$0x1] =	wrdreg $0xFFFFFFFF  }
0xc3: {  	_ =	task.clear_ibuf [dreg:s8], $0x2FFFF;
	_ =	strace $0x9FFFFFFF  }
0xc4: {  	(tm) =	ssettm $0x7FFFFFFF  }
0xc5: {  	_ =	shalt  }
tec
execute0_lowered:
.L_overlay_start_1:
0x0: {  	(tag) =	ssettag $0x1  }
0x1: {  	s1 =	rddreg [dreg:$0x0]  }
0x2: {  	s0 =	srdreg.scid;
	s3 =	rddreg [dreg:$0x1]  }
0x3: {  	s11 =	stileid.u32;
	s7 =	rddreg [dreg:$0x2];
	s16 =	simm.s32 $0x200  }
0x4: {  	s30 =	simm.s32 $0x300;
	s17 =	simm.s32 $0x8500;
	s6 =	smul.u32 $0x1900, s11  }
0x5: {  	s31 =	simm.s32 $0xC500;
	s18 =	simm.s32 $0x280;
	s10 =	smul.u32 $0xC800, s11  }
0x6: {  	s19 =	simm.s32 $0xA500;
	s0 =	sand.u32 $0x1, s0;
	s23 =	smul.u32 $0x64000, s11  }
0x7: {  	s20 =	simm.s32 $0x380;
	s21 =	simm.s32 $0xE500;
	s8 =	smul.u32 $0xC80, s0  }
0x8: {  	s28 =	simm.s32 $0x2;
	s2 =	sshll.u32 s11, $0x1;
	s22 =	smul.u32 $0x6400, s0  }
0x9: {  	s2 =	sor.u32 s0, s2;
	s5 =	ssub.s32 $0x2, s0;
	s0 =	smul.u32 $0x32000, s0  }
0xa: {  	s29 =	simm.s32 $0x0;
	s3 =	sadd.s32 $0xF42C00, s3;
	s4 =	smul.u32 $0xC80, s2  }
0xb: {  	s2 =	simm.s32 $0x0;
	s9 =	sshrl.u32 s5, $0x1;
	s6 =	sadd.s32 s6, s1  }
0xc: {  	s24 =	sadd.s32 s23, s7;
	s23 =	simm.s32 $0x10500;
	[smem:$0x7FF] =	sst s2  }
0xd: {  	s5 =	ssub.s32 s5, s9;
	s6 =	sadd.s32 s8, s6;
	s9 =	sadd.s32 s22, s10  }
0xe: {  	s8 =	simm.s32 $0x3;
	s10 =	simm.s32 $0x500;
	s22 =	simm.s32 $0x400  }
0xf: {  	_ =	strace $0x80000047;
	s4 =	sadd.s32 s1, s4;
	[dreg:$0x6] =	wrdreg s30  }
0x10: {  	s6 =	sadd.s32 $0xA0, s6;
	s9 =	sor.u32 $0x280, s9;
	[dreg:$0x7] =	wrdreg s31  }
0x11: {  	s5 =	smax.u32 s5, $0x1;
	[dreg:$0x4] =	wrdreg s6;
	s25 =	sshrl.u32 s9, $0x3  }
0x12: {  	s6 =	sadd.s32 s0, s24;
	s26 =	sshll.u32 s9, $0x3;
	s9 =	simm.s32 $0x80  }
0x13: {  	s24 =	simm.s32 $0x480;
	s1 =	sadd.s32 s25, s1;
	s7 =	sadd.s32 s26, s7  }
0x14: {  	s25 =	simm.s32 $0x12500;
	s26 =	simm.s32 $0x1;
	[dreg:$0x5] =	wrdreg s1  }
.LBB2_1:
0x15: {  	[tilespmem:s2], [sflag:$0x3] =	stream.linear.gather [hbm4b:s4+s2], $0x280, $0x38;
	[tilespmem:$0x14500] =	vst v63  }
0x16: {  	_ =	swait.ge [sflag:s8], $0x280  }
0x17: {  	[sflag:s8] =	ssyncset.done $0x0  }
0x18: {  	[sflag:s8] =	ssyncadd.s32 $0xFFFFFD80  }
0x19: {  	[tilespmem:s10], [sflag:$0x1] =	stream.indirect.gather [hbm4b:s3+s9], $0x40, s2, s9, $0xb8;
	[tilespmem:$0x14500] =	vst v63  }
0x1a: {  	s0 =	simm.s32 $0x2500  }
0x1b: {  	[tilespmem:s0], [sflag:$0x1] =	stream.indirect.gather [hbm4b:s3+s9], $0x40, s9, s9, $0xb8;
	[tilespmem:$0x14500] =	vst v63  }
0x1c: {  	s15 =	simm.s32 $0x100;
	s1 =	simm.s32 $0x4500  }
0x1d: {  	[tilespmem:s1], [sflag:$0x1] =	stream.indirect.gather [hbm4b:s3+s9], $0x40, s15, s9, $0xb8;
	[tilespmem:$0x14500] =	vst v63  }
0x1e: {  	s11 =	simm.s32 $0x180;
	s12 =	simm.s32 $0x6500  }
0x1f: {  	[tilespmem:s12], [sflag:$0x1] =	stream.indirect.gather [hbm4b:s3+s9], $0x40, s11, s9, $0xb8;
	[tilespmem:$0x14500] =	vst v63  }
0x20: {  	s13 =	rddreg [dreg:$0x5]  }
0x21: {  	[tilespmem:s17], [sflag:$0x1] =	stream.indirect.gather [hbm4b:s3+s9], $0x40, s16, s9, $0xb8;
	[tilespmem:$0x14500] =	vst v63  }
0x22: {  	s0 =	sadd.s32 $0x0, s13  }
0x23: {  	[tilespmem:s18], [sflag:$0x3] =	stream.linear.gather [hbm4b:s0+s2], $0x280, $0x38;
	[tilespmem:$0x14500] =	vst v63  }
0x24: {  	_ =	swait.ge [sflag:s8], $0x280  }
0x25: {  	[sflag:s8] =	ssyncset.done $0x0  }
0x26: {  	s14 =	rddreg [dreg:$0x6];
	[sflag:s8] =	ssyncadd.s32 $0xFFFFFD80  }
0x27: {  	[tilespmem:s19], [sflag:$0x2] =	stream.indirect.gather [hbm4b:s3+s9], $0x40, s18, s9, $0xb8;
	[tilespmem:$0x14500] =	vst v63  }
0x28: {  	s15 =	rddreg [dreg:$0x7]  }
0x29: {  	[tilespmem:s15], [sflag:$0x2] =	stream.indirect.gather [hbm4b:s3+s9], $0x40, s14, s9, $0xb8;
	[tilespmem:$0x14500] =	vst v63  }
0x2a: {  	_ = 	snop  }
0x2b: {  	[tilespmem:s21], [sflag:$0x2] =	stream.indirect.gather [hbm4b:s3+s9], $0x40, s20, s9, $0xb8;
	[tilespmem:$0x14500] =	vst v63  }
0x2c: {  	_ = 	snop  }
0x2d: {  	[tilespmem:s23], [sflag:$0x2] =	stream.indirect.gather [hbm4b:s3+s9], $0x40, s22, s9, $0xb8;
	[tilespmem:$0x14500] =	vst v63  }
0x2e: {  	_ = 	snop  }
0x2f: {  	[tilespmem:s25], [sflag:$0x2] =	stream.indirect.gather [hbm4b:s3+s9], $0x40, s24, s9, $0xb8;
	[tilespmem:$0x14500] =	vst v63  }
0x30: {  	_ =	swait.ge [sflag:s26], $0x2000  }
0x31: {  	[sflag:s26] =	ssyncset.done $0x0  }
0x32: {  	[sflag:s26] =	ssyncadd.s32 $0xFFFFE000  }
0x33: {  	_ =	swait.ge [sflag:s26], $0x2000  }
0x34: {  	[sflag:s26] =	ssyncset.done $0x0  }
0x35: {  	[sflag:s26] =	ssyncadd.s32 $0xFFFFE000  }
0x36: {  	_ =	swait.ge [sflag:s26], $0x2000  }
0x37: {  	[sflag:s26] =	ssyncset.done $0x0  }
0x38: {  	[sflag:s26] =	ssyncadd.s32 $0xFFFFE000  }
0x39: {  	_ =	swait.ge [sflag:s26], $0x2000  }
0x3a: {  	[sflag:s26] =	ssyncset.done $0x0  }
0x3b: {  	[sflag:s26] =	ssyncadd.s32 $0xFFFFE000  }
0x3c: {  	_ =	swait.ge [sflag:s26], $0x2000  }
0x3d: {  	[sflag:s26] =	ssyncset.done $0x0  }
0x3e: {  	[sflag:s26] =	ssyncadd.s32 $0xFFFFE000  }
0x3f: {  	[hbm4b:s6+s2] =	stream.linear.scatter [tilespmem:s10], [sflag:$0x3], $0xA000, $0x38;
	[tilespmem:$0x14500] =	vst v63  }
0x40: {  	p0 =	por $0x0, $0x0;
	_ =	swait.ge [sflag:s8], $0xA000  }
0x41: {  	s1 =	simm.s32 @!p0 $0x0;
	s0 =	rddreg [dreg:$0x4];
	[sflag:s8] =	ssyncset.done $0x0  }
0x42: {  	s11 =	simm.s32 @!p0 $0x3;
	[sflag:s8] =	ssyncadd.s32 $0xFFFF6000;
	s0 =	sadd.s32 @!p0 $0x0, s0  }
0x43: {  	[tilespmem:s1], [sflag:$0x3] =	stream.linear.gather @!p0 [hbm4b:s0+s1], $0x280, $0x38;
	[tilespmem:$0x14500] =	vst v63  }
0x44: {  	_ =	swait.ge @!p0 [sflag:s11], $0x280  }
0x45: {  	[sflag:s11] =	ssyncset.done @!p0 $0x0  }
0x46: {  	s30 =	simm.s32 @!p0 $0x500;
	s0 =	simm.s32 @!p0 $0x80;
	[sflag:s11] =	ssyncadd.s32 @!p0 $0xFFFFFD80  }
0x47: {  	[tilespmem:s30], [sflag:$0x1] =	stream.indirect.gather @!p0 [hbm4b:s3+s0], $0x40, s1, s0, $0xb8;
	[tilespmem:$0x14500] =	vst v63  }
0x48: {  	s1 =	simm.s32 @!p0 $0x2500  }
0x49: {  	[tilespmem:s1], [sflag:$0x1] =	stream.indirect.gather @!p0 [hbm4b:s3+s0], $0x40, s0, s0, $0xb8;
	[tilespmem:$0x14500] =	vst v63  }
0x4a: {  	s11 =	simm.s32 @!p0 $0x4500;
	s1 =	simm.s32 @!p0 $0x100  }
0x4b: {  	[tilespmem:s11], [sflag:$0x1] =	stream.indirect.gather @!p0 [hbm4b:s3+s0], $0x40, s1, s0, $0xb8;
	[tilespmem:$0x14500] =	vst v63  }
0x4c: {  	s1 =	simm.s32 @!p0 $0x180;
	s11 =	simm.s32 @!p0 $0x6500  }
0x4d: {  	[tilespmem:s11], [sflag:$0x1] =	stream.indirect.gather @!p0 [hbm4b:s3+s0], $0x40, s1, s0, $0xb8;
	[tilespmem:$0x14500] =	vst v63  }
0x4e: {  	s1 =	simm.s32 @!p0 $0x200;
	s11 =	simm.s32 @!p0 $0x8500  }
0x4f: {  	[tilespmem:s11], [sflag:$0x1] =	stream.indirect.gather @!p0 [hbm4b:s3+s0], $0x40, s1, s0, $0xb8;
	[tilespmem:$0x14500] =	vst v63  }
0x50: {  	_ =	swait.ge [sflag:s28], $0x2000  }
0x51: {  	[sflag:s28] =	ssyncset.done $0x0  }
0x52: {  	[sflag:s28] =	ssyncadd.s32 $0xFFFFE000  }
0x53: {  	_ =	swait.ge [sflag:s28], $0x2000  }
0x54: {  	[sflag:s28] =	ssyncset.done $0x0  }
0x55: {  	[sflag:s28] =	ssyncadd.s32 $0xFFFFE000  }
0x56: {  	_ =	swait.ge [sflag:s28], $0x2000  }
0x57: {  	[sflag:s28] =	ssyncset.done $0x0  }
0x58: {  	[sflag:s28] =	ssyncadd.s32 $0xFFFFE000  }
0x59: {  	_ =	swait.ge [sflag:s28], $0x2000  }
0x5a: {  	[sflag:s28] =	ssyncset.done $0x0  }
0x5b: {  	[sflag:s28] =	ssyncadd.s32 $0xFFFFE000  }
0x5c: {  	_ =	swait.ge [sflag:s28], $0x2000  }
0x5d: {  	[sflag:s28] =	ssyncset.done $0x0  }
0x5e: {  	s31 =	simm.s32 $0xA0;
	s30 =	sadd.s32 $0x2800, s7;
	[sflag:s28] =	ssyncadd.s32 $0xFFFFE000  }
0x5f: {  	[hbm4b:s7+s2] =	stream.linear.scatter [tilespmem:s19], [sflag:$0x3], $0xA000, $0x38;
	[tilespmem:$0x14500] =	vst v63  }
0x60: {  	s0 =	simm.s32 $0x140;
	s1 =	sadd.s32 $0x2800, s6;
	_ =	swait.ge [sflag:s8], $0xA000  }
.LBB2_2:
0x61: {  	s12 =	rddreg [dreg:$0x5];
	[sflag:s8] =	ssyncset.done $0x0  }
0x62: {  	[sflag:s8] =	ssyncadd.s32 $0xFFFF6000;
	s12 =	sadd.s32 s31, s12  }
0x63: {  	[tilespmem:s18], [sflag:$0x3] =	stream.linear.gather [hbm4b:s12+s2], $0x280, $0x38;
	[tilespmem:$0x14500] =	vst v63  }
0x64: {  	_ =	swait.ge [sflag:s8], $0x280  }
0x65: {  	[sflag:s8] =	ssyncset.done $0x0  }
0x66: {  	s15 =	rddreg [dreg:$0x6];
	[sflag:s8] =	ssyncadd.s32 $0xFFFFFD80  }
0x67: {  	[tilespmem:s19], [sflag:$0x2] =	stream.indirect.gather [hbm4b:s3+s9], $0x40, s18, s9, $0xb8;
	[tilespmem:$0x14500] =	vst v63  }
0x68: {  	s13 =	rddreg [dreg:$0x7]  }
0x69: {  	[tilespmem:s13], [sflag:$0x2] =	stream.indirect.gather [hbm4b:s3+s9], $0x40, s15, s9, $0xb8;
	[tilespmem:$0x14500] =	vst v63  }
0x6a: {  	_ = 	snop  }
0x6b: {  	[tilespmem:s21], [sflag:$0x2] =	stream.indirect.gather [hbm4b:s3+s9], $0x40, s20, s9, $0xb8;
	[tilespmem:$0x14500] =	vst v63  }
0x6c: {  	_ = 	snop  }
0x6d: {  	[tilespmem:s23], [sflag:$0x2] =	stream.indirect.gather [hbm4b:s3+s9], $0x40, s22, s9, $0xb8;
	[tilespmem:$0x14500] =	vst v63  }
0x6e: {  	_ = 	snop  }
0x6f: {  	[tilespmem:s25], [sflag:$0x2] =	stream.indirect.gather [hbm4b:s3+s9], $0x40, s24, s9, $0xb8;
	[tilespmem:$0x14500] =	vst v63  }
0x70: {  	_ =	swait.ge [sflag:s26], $0x2000  }
0x71: {  	[sflag:s26] =	ssyncset.done $0x0  }
0x72: {  	[sflag:s26] =	ssyncadd.s32 $0xFFFFE000  }
0x73: {  	_ =	swait.ge [sflag:s26], $0x2000  }
0x74: {  	[sflag:s26] =	ssyncset.done $0x0  }
0x75: {  	[sflag:s26] =	ssyncadd.s32 $0xFFFFE000  }
0x76: {  	_ =	swait.ge [sflag:s26], $0x2000  }
0x77: {  	[sflag:s26] =	ssyncset.done $0x0  }
0x78: {  	[sflag:s26] =	ssyncadd.s32 $0xFFFFE000  }
0x79: {  	_ =	swait.ge [sflag:s26], $0x2000  }
0x7a: {  	[sflag:s26] =	ssyncset.done $0x0  }
0x7b: {  	[sflag:s26] =	ssyncadd.s32 $0xFFFFE000  }
0x7c: {  	_ =	swait.ge [sflag:s26], $0x2000  }
0x7d: {  	[sflag:s26] =	ssyncset.done $0x0  }
0x7e: {  	[sflag:s26] =	ssyncadd.s32 $0xFFFFE000  }
0x7f: {  	[hbm4b:s1+s2] =	stream.linear.scatter [tilespmem:s10], [sflag:$0x3], $0xA000, $0x38;
	[tilespmem:$0x14500] =	vst v63  }
0x80: {  	p1 =	seq.s32 s31, $0xBE0;
	_ =	swait.ge [sflag:s8], $0xA000  }
0x81: {  	s14 =	simm.s32 @!p1 $0x3;
	s12 =	rddreg [dreg:$0x4];
	[sflag:s8] =	ssyncset.done $0x0  }
0x82: {  	s13 =	simm.s32 @!p1 $0x0;
	[sflag:s8] =	ssyncadd.s32 $0xFFFF6000;
	s12 =	sadd.s32 @!p1 s31, s12  }
0x83: {  	[tilespmem:s13], [sflag:$0x3] =	stream.linear.gather @!p1 [hbm4b:s12+s13], $0x280, $0x38;
	[tilespmem:$0x14500] =	vst v63  }
0x84: {  	s11 =	smov.u32 s0;
	_ =	swait.ge @!p1 [sflag:s14], $0x280  }
0x85: {  	s31 =	smov.u32 s11;
	[sflag:s14] =	ssyncset.done @!p1 $0x0  }
0x86: {  	s11 =	simm.s32 @!p1 $0x80;
	s12 =	simm.s32 @!p1 $0x500;
	[sflag:s14] =	ssyncadd.s32 @!p1 $0xFFFFFD80  }
0x87: {  	[tilespmem:s12], [sflag:$0x1] =	stream.indirect.gather @!p1 [hbm4b:s3+s11], $0x40, s13, s11, $0xb8;
	[tilespmem:$0x14500] =	vst v63  }
0x88: {  	s14 =	simm.s32 @!p1 $0x2500  }
0x89: {  	[tilespmem:s14], [sflag:$0x1] =	stream.indirect.gather @!p1 [hbm4b:s3+s11], $0x40, s11, s11, $0xb8;
	[tilespmem:$0x14500] =	vst v63  }
0x8a: {  	s12 =	simm.s32 @!p1 $0x100;
	s13 =	simm.s32 @!p1 $0x4500  }
0x8b: {  	[tilespmem:s13], [sflag:$0x1] =	stream.indirect.gather @!p1 [hbm4b:s3+s11], $0x40, s12, s11, $0xb8;
	[tilespmem:$0x14500] =	vst v63  }
0x8c: {  	s15 =	simm.s32 @!p1 $0x6500;
	s14 =	simm.s32 @!p1 $0x180  }
0x8d: {  	[tilespmem:s15], [sflag:$0x1] =	stream.indirect.gather @!p1 [hbm4b:s3+s11], $0x40, s14, s11, $0xb8;
	[tilespmem:$0x14500] =	vst v63  }
0x8e: {  	s12 =	simm.s32 @!p1 $0x200;
	s13 =	simm.s32 @!p1 $0x8500  }
0x8f: {  	[tilespmem:s13], [sflag:$0x1] =	stream.indirect.gather @!p1 [hbm4b:s3+s11], $0x40, s12, s11, $0xb8;
	[tilespmem:$0x14500] =	vst v63  }
0x90: {  	_ =	swait.ge [sflag:s28], $0x2000  }
0x91: {  	[sflag:s28] =	ssyncset.done $0x0  }
0x92: {  	[sflag:s28] =	ssyncadd.s32 $0xFFFFE000  }
0x93: {  	_ =	swait.ge [sflag:s28], $0x2000  }
0x94: {  	[sflag:s28] =	ssyncset.done $0x0  }
0x95: {  	[sflag:s28] =	ssyncadd.s32 $0xFFFFE000  }
0x96: {  	_ =	swait.ge [sflag:s28], $0x2000  }
0x97: {  	[sflag:s28] =	ssyncset.done $0x0  }
0x98: {  	[sflag:s28] =	ssyncadd.s32 $0xFFFFE000  }
0x99: {  	_ =	swait.ge [sflag:s28], $0x2000  }
0x9a: {  	s0 =	sadd.s32 $0xA0, s0;
	[sflag:s28] =	ssyncset.done $0x0  }
0x9b: {  	p0 =	sne.s32 s0, $0xC80;
	[sflag:s28] =	ssyncadd.s32 $0xFFFFE000  }
.Ltmp0:
0x9c: {  	_ =	swait.ge [sflag:s28], $0x2000;
	(pc) =	sbr.rel @p0 .LBB2_2-.Ltmp0, $4  }
0x9d: {  	[sflag:s28] =	ssyncset.done $0x0  }
0x9e: {  	[sflag:s28] =	ssyncadd.s32 $0xFFFFE000  }
0x9f: {  	[hbm4b:s30+s2] =	stream.linear.scatter [tilespmem:s19], [sflag:$0x3], $0xA000, $0x38;
	[tilespmem:$0x14500] =	vst v63  }
0xa0: {  	s1 =	sadd.s32 $0x2800, s1;
	s30 =	sadd.s32 $0x2800, s30;
	_ =	swait.ge [sflag:s8], $0xA000  }
0xa1: {  	s0 =	rddreg [dreg:$0x5];
	[sflag:s8] =	ssyncset.done $0x0  }
0xa2: {  	[sflag:s8] =	ssyncadd.s32 $0xFFFF6000;
	s0 =	sadd.s32 s31, s0  }
0xa3: {  	[tilespmem:s18], [sflag:$0x3] =	stream.linear.gather [hbm4b:s0+s2], $0x280, $0x38;
	[tilespmem:$0x14500] =	vst v63  }
0xa4: {  	_ =	swait.ge [sflag:s8], $0x280  }
0xa5: {  	[sflag:s8] =	ssyncset.done $0x0  }
0xa6: {  	s15 =	rddreg [dreg:$0x6];
	[sflag:s8] =	ssyncadd.s32 $0xFFFFFD80  }
0xa7: {  	[tilespmem:s19], [sflag:$0x2] =	stream.indirect.gather [hbm4b:s3+s9], $0x40, s18, s9, $0xb8;
	[tilespmem:$0x14500] =	vst v63  }
0xa8: {  	s11 =	rddreg [dreg:$0x7]  }
0xa9: {  	[tilespmem:s11], [sflag:$0x2] =	stream.indirect.gather [hbm4b:s3+s9], $0x40, s15, s9, $0xb8;
	[tilespmem:$0x14500] =	vst v63  }
0xaa: {  	_ = 	snop  }
0xab: {  	[tilespmem:s21], [sflag:$0x2] =	stream.indirect.gather [hbm4b:s3+s9], $0x40, s20, s9, $0xb8;
	[tilespmem:$0x14500] =	vst v63  }
0xac: {  	_ = 	snop  }
0xad: {  	[tilespmem:s23], [sflag:$0x2] =	stream.indirect.gather [hbm4b:s3+s9], $0x40, s22, s9, $0xb8;
	[tilespmem:$0x14500] =	vst v63  }
0xae: {  	_ = 	snop  }
0xaf: {  	[tilespmem:s25], [sflag:$0x2] =	stream.indirect.gather [hbm4b:s3+s9], $0x40, s24, s9, $0xb8;
	[tilespmem:$0x14500] =	vst v63  }
0xb0: {  	_ =	swait.ge [sflag:s26], $0x2000  }
0xb1: {  	[sflag:s26] =	ssyncset.done $0x0  }
0xb2: {  	[sflag:s26] =	ssyncadd.s32 $0xFFFFE000  }
0xb3: {  	_ =	swait.ge [sflag:s26], $0x2000  }
0xb4: {  	[sflag:s26] =	ssyncset.done $0x0  }
0xb5: {  	[sflag:s26] =	ssyncadd.s32 $0xFFFFE000  }
0xb6: {  	_ =	swait.ge [sflag:s26], $0x2000  }
0xb7: {  	[sflag:s26] =	ssyncset.done $0x0  }
0xb8: {  	[sflag:s26] =	ssyncadd.s32 $0xFFFFE000  }
0xb9: {  	_ =	swait.ge [sflag:s26], $0x2000  }
0xba: {  	[sflag:s26] =	ssyncset.done $0x0  }
0xbb: {  	[sflag:s26] =	ssyncadd.s32 $0xFFFFE000  }
0xbc: {  	_ =	swait.ge [sflag:s26], $0x2000  }
0xbd: {  	[sflag:s26] =	ssyncset.done $0x0  }
0xbe: {  	[sflag:s26] =	ssyncadd.s32 $0xFFFFE000  }
0xbf: {  	[hbm4b:s1+s2] =	stream.linear.scatter [tilespmem:s10], [sflag:$0x3], $0xA000, $0x38;
	[tilespmem:$0x14500] =	vst v63  }
0xc0: {  	p0 =	seq.s32 s31, $0xBE0;
	_ =	swait.ge [sflag:s8], $0xA000  }
0xc1: {  	s11 =	simm.s32 @!p0 $0x3;
	s0 =	rddreg [dreg:$0x4];
	[sflag:s8] =	ssyncset.done $0x0  }
0xc2: {  	s1 =	simm.s32 @!p0 $0x0;
	[sflag:s8] =	ssyncadd.s32 $0xFFFF6000;
	s0 =	sadd.s32 @!p0 s31, s0  }
0xc3: {  	[tilespmem:s1], [sflag:$0x3] =	stream.linear.gather @!p0 [hbm4b:s0+s1], $0x280, $0x38;
	[tilespmem:$0x14500] =	vst v63  }
0xc4: {  	_ =	swait.ge @!p0 [sflag:s11], $0x280  }
0xc5: {  	[sflag:s11] =	ssyncset.done @!p0 $0x0  }
0xc6: {  	s12 =	simm.s32 @!p0 $0x500;
	s0 =	simm.s32 @!p0 $0x80;
	[sflag:s11] =	ssyncadd.s32 @!p0 $0xFFFFFD80  }
0xc7: {  	[tilespmem:s12], [sflag:$0x1] =	stream.indirect.gather @!p0 [hbm4b:s3+s0], $0x40, s1, s0, $0xb8;
	[tilespmem:$0x14500] =	vst v63  }
0xc8: {  	s1 =	simm.s32 @!p0 $0x2500  }
0xc9: {  	[tilespmem:s1], [sflag:$0x1] =	stream.indirect.gather @!p0 [hbm4b:s3+s0], $0x40, s0, s0, $0xb8;
	[tilespmem:$0x14500] =	vst v63  }
0xca: {  	s11 =	simm.s32 @!p0 $0x4500;
	s1 =	simm.s32 @!p0 $0x100  }
0xcb: {  	[tilespmem:s11], [sflag:$0x1] =	stream.indirect.gather @!p0 [hbm4b:s3+s0], $0x40, s1, s0, $0xb8;
	[tilespmem:$0x14500] =	vst v63  }
0xcc: {  	s1 =	simm.s32 @!p0 $0x180;
	s11 =	simm.s32 @!p0 $0x6500  }
0xcd: {  	[tilespmem:s11], [sflag:$0x1] =	stream.indirect.gather @!p0 [hbm4b:s3+s0], $0x40, s1, s0, $0xb8;
	[tilespmem:$0x14500] =	vst v63  }
0xce: {  	s1 =	simm.s32 @!p0 $0x200;
	s11 =	simm.s32 @!p0 $0x8500  }
0xcf: {  	[tilespmem:s11], [sflag:$0x1] =	stream.indirect.gather @!p0 [hbm4b:s3+s0], $0x40, s1, s0, $0xb8;
	[tilespmem:$0x14500] =	vst v63  }
0xd0: {  	_ =	swait.ge [sflag:s28], $0x2000  }
0xd1: {  	[sflag:s28] =	ssyncset.done $0x0  }
0xd2: {  	[sflag:s28] =	ssyncadd.s32 $0xFFFFE000  }
0xd3: {  	_ =	swait.ge [sflag:s28], $0x2000  }
0xd4: {  	[sflag:s28] =	ssyncset.done $0x0  }
0xd5: {  	[sflag:s28] =	ssyncadd.s32 $0xFFFFE000  }
0xd6: {  	_ =	swait.ge [sflag:s28], $0x2000  }
0xd7: {  	[sflag:s28] =	ssyncset.done $0x0  }
0xd8: {  	[sflag:s28] =	ssyncadd.s32 $0xFFFFE000  }
0xd9: {  	_ =	swait.ge [sflag:s28], $0x2000  }
0xda: {  	[sflag:s28] =	ssyncset.done $0x0  }
0xdb: {  	[sflag:s28] =	ssyncadd.s32 $0xFFFFE000  }
0xdc: {  	s29 =	sadd.s32 $0x1, s29;
	_ =	swait.ge [sflag:s28], $0x2000  }
0xdd: {  	p0 =	sne.s32 s29, s5;
	[sflag:s28] =	ssyncset.done $0x0  }
.Ltmp1:
0xde: {  	[sflag:s28] =	ssyncadd.s32 $0xFFFFE000;
	(pc) =	sbr.rel @p0 .LBB2_1-.Ltmp1, $4  }
0xdf: {  	[hbm4b:s30+s2] =	stream.linear.scatter [tilespmem:s19], [sflag:$0x3], $0xA000, $0x38;
	[tilespmem:$0x14500] =	vst v63  }
0xe0: {  	_ =	swait.ge [sflag:s8], $0xA000  }
0xe1: {  	[sflag:s8] =	ssyncset.done $0x0  }
0xe2: {  	[sflag:s8] =	ssyncadd.s32 $0xFFFF6000  }
0xe3: {  	_ =	sfence.sel $0x180000  }
0xe4: {  	[bflag:$0x0] =	sbarrier.arrive $0xFFFF  }
0xe5: {  	_ =	strace $0x90000047  }
0xe6: {  	s0 =	stileid.u32;
	[bflag:$0x2] =	sbarrier.arrive $0xFFFF  }
0xe7: {  	p0 =	sne.s32 s0, $0x0;
	s0 =	rddreg [dreg:$0x3]  }
0xe8: {  	s0 =	sadd.s32 @!p0 $0x100000, s0  }
0xe9: {  	[sflag:s0] =	ssyncadd.tile.s32 @!p0 $0x1;
	_ =	shalt  }
.Lfunc_end2:
_tile_overlayer_lowered:
.L_overlay_start_2:
0xea: {  	(tag) =	ssettag $0x2  }
0xeb: {  	s0 =	rddreg [dreg:$0x0];
	s2 =	stileid.u32  }
0xec: {  	s1 =	rddreg [dreg:$0x1];
	p0 =	sne.s32 s2, $0x0  }
0xed: {  	s3 =	rddreg [dreg:$0x2];
	[bflag:$0x3] =	sbarrier.arrive $0xFFFF;
	s2 =	simm.s32 @!p0 $0x1C03  }
0xee: {  	[timem:s3], [sflag:s2] =	dma.local @!p0 [hbm:s0], s1  }
0xef: {  	s0 =	simm.s32 @!p0 $0x3  }
0xf0: {  	_ =	swait.ge @!p0 [sflag:s0], s1  }
0xf1: {  	s1 =	ssub.s32 @!p0 $0x0, s1;
	[sflag:s0] =	ssyncset.done @!p0 $0x0  }
0xf2: {  	[sflag:s0] =	ssyncadd.s32 @!p0 s1  }
0xf3: {  	[bflag:$0x3] =	sbarrier.arrive $0xFFFF  }
0xf4: {  	_ =	shalt  }

// kernel: sparse-core-data-format-call.cloned.1.call-start
scs
called_computation_lowered:
.L_overlay_start_0:
0x0: {  	s2 =	sld [smem:$0x3FD9]  }
0x1: {  	s3 =	sld [smem:$0x3FFE];
	_ =	sdelay $0x1  }
0x2: {  	s1 =	srdreg.scid  }
0x3: {  	s0 =	sand.u32 $0x1, s1  }
0x4: {  	s18 =	sshll.u32 s0, $0xA;
	s2 =	sadd.s32 s3, s2  }
0x5: {  	s2 =	sadd.s32 s2, s18  }
0x6: {  	[smem:$0x3FC6] =	sst s2  }
0x7: {  	_ = 	snop  }
0x8: {  	s2 =	sld [smem:$0x3FD0];
	(tm) =	ssettm $0x1  }
0x9: {  	s19 =	sld [smem:$0x3FFB];
	_ =	sdelay $0x3  }
0xa: {  	_ =	strace s19  }
0xb: {  	s3 =	sld [smem:$0x3FFC];
	_ =	sdelay $0x3  }
0xc: {  	_ =	strace s3  }
0xd: {  	s3 =	sld [smem:$0x3FFD];
	_ =	sdelay $0x3  }
0xe: {  	_ =	strace s3  }
0xf: {  	_ =	strace $0x8FFFFFFF  }
0x10: {  	s20 =	sld [smem:$0x3FDB];
	_ =	sdelay $0x1  }
0x11: {  	s4 =	simm.s32 $_scs_section_size  }
0x12: {  	s5 =	simm.s32 $_size__tile_overlayer_lowered;
	s6 =	simm.s32 $_tile_overlayer_lowered  }
0x13: {  	s23 =	simm.s32 $0x1BFF;
	s22 =	sshll.u32 s6, $0x1;
	s3 =	sadd.s32 s4, s20  }
0x14: {  	s7 =	simm.s32 $0x0;
	s21 =	sshll.u32 s5, $0x1;
	s5 =	sadd.s32 s22, s3  }
0x15: {  	[timem:s7], [sflag:s23] =	dma.local [hbm:s5], s21  }
0x16: {  	_ =	swait.ge [sflag:s23], s21  }
0x17: {  	s4 =	ssub.s32 $0x0, s21;
	[sflag:s23] =	ssyncset.done $0x0  }
0x18: {  	[sflag:s23] =	ssyncadd.s32 s4;
	_ =	sdelay $0x1  }
0x19: {  	s24 =	simm.s32 $0x1B8B  }
0x1a: {  	_ =	swait.ge [sflag:s24], $0x1  }
0x1b: {  	[sflag:s24] =	ssyncset.done $0x0  }
0x1c: {  	s26 =	simm.s32 $0x1B8E;
	s25 =	sld [smem:$0x3FFE];
	[sflag:s24] =	ssyncadd.s32 $0xFFFFFFFF  }
0x1d: {  	s27 =	simm.s32 $execute0_lowered;
	[smem:$0x3FD2] =	sst s26  }
0x1e: {  	s5 =	sshll.u32 s27, $0x1;
	_ =	strace $0x80000049;
	[dreg:$0x1] =	wrdreg $0xFFFFFFFF  }
0x1f: {  	s28 =	simm.s32 $_size_execute0_lowered;
	s3 =	sadd.s32 s3, s5;
	[dreg:$0x0] =	wrdreg $0x0  }
0x20: {  	s5 =	sshll.u32 s28, $0x1;
	[dreg:$0x2] =	wrdreg s3  }
0x21: {  	[dreg:$0x3] =	wrdreg s5  }
0x22: {  	[dreg:$0x4] =	wrdreg $0xC0  }
0x23: {  	_ =	task [dreg:s7], $0x5FFFF  }
0x24: {  	[dreg:$0x1] =	wrdreg $0xFFFFFFFF  }
0x25: {  	[dreg:$0x0] =	wrdreg $0x60  }
0x26: {  	[dreg:$0x2] =	wrdreg s25  }
0x27: {  	[dreg:$0x3] =	wrdreg s2  }
0x28: {  	[dreg:$0x4] =	wrdreg $0x9  }
0x29: {  	_ =	task.clear_ibuf [dreg:s7], $0x5FFFF;
	_ =	strace $0x90000049  }
0x2a: {  	s29 =	simm.s32 $0x9;
	_ =	strace $0x8000004B  }
0x2b: {  	_ =	swait.ge [sflag:s29], $0x1  }
0x2c: {  	[sflag:s29] =	ssyncadd.s32 $0xFFFFFFFF  }
0x2d: {  	_ =	strace $0x9000004B  }
0x2e: {  	_ =	sfence  }
0x2f: {  	s30 =	sld [smem:$0x0];
	_ =	sdelay $0x2  }
0x30: {  	s31 =	sshll.u32 s1, $0xD;
	s1 =	sshrl.u32 s1, $0x2  }
0x31: {  	s3 =	sand.u32 $0x4000, s31;
	s1 =	sadd.s32 s1, s30  }
0x32: {  	s0 =	sor.u32 s3, s0;
	s1 =	sshll.u32 s1, $0x11  }
0x33: {  	s0 =	sor.u32 s1, s0  }
0x34: {  	s0 =	sadd.s32 $0x8F2B, s0  }
0x35: {  	[sflag:s0] =	ssyncadd.remote.s32 $0x1  }
0x36: {  	_ =	sfence.sel $0xFFFF  }
0x37: {  	[dreg:$0x0] =	wrdreg $0xFFFFFFFF;
	(pc) =	sbr.abs _section_cstart, $3  }
0x38: {  	[dreg:$0x1] =	wrdreg $0xFFFFFFFF  }
0x39: {  	_ =	task.clear_ibuf [dreg:s7], $0x2FFFF;
	_ =	strace $0x9FFFFFFF  }
0x3a: {  	(tm) =	ssettm $0x7FFFFFFF  }
0x3b: {  	_ =	shalt  }
tec
execute0_lowered:
.L_overlay_start_1:
0x0: {  	(tag) =	ssettag $0x1  }
0x1: {  	s0 =	srdreg.scid  }
0x2: {  	s1 =	sshll.u32 s0, $0x4  }
0x3: {  	s4 =	rddreg [dreg:$0x0];
	s0 =	stileid.u32;
	s1 =	sand.u32 $0x10, s1  }
0x4: {  	s2 =	rddreg [dreg:$0x1];
	s7 =	simm.s32 $0x1;
	s1 =	sor.u32 s0, s1  }
0x5: {  	s8 =	simm.s32 $0x2;
	s11 =	simm.s32 $0x0;
	s3 =	sshll.u32 s1, $0x7  }
0x6: {  	s10 =	simm.s32 $0x0;
	s4 =	sadd.s32 $0x800, s4;
	s6 =	ssub.s32 $0xC8000, s3  }
.Ltmp0:
0x7: {  	s1 =	rddreg [dreg:$0x2];
	s5 =	sand.u32 $0xF80, s6;
	(pc) =	sbr.rel .LBB1_1-.Ltmp0, $4  }
0x8: {  	_ =	strace $0x8000004A;
	s9 =	smov.u32 s3;
	p0 =	sne.s32 s5, $0x0  }
0x9: {  	s6 =	sshrl.u32 s6, $0xC;
	s5 =	simm.s32 $0x1;
	s7 =	simm.s32 @!p0 $0x0  }
0xa: {  	[sflag:s5] =	ssyncpa.u1 $0x0;
	p0 =	por $0x0, $0x0;
	s6 =	sadd.s32 s7, s6  }
0xb: {  	[sflag:s8] =	ssyncpa.u1 $0x0;
	s8 =	simm.s32 $0x640000;
	s7 =	sadd.s32 $0x1, s6  }
.LBB1_4:
0xc: {  	s14 =	sshll.u32 s11, $0x3  }
0xd: {  	s30 =	sand.u32 $0x7F, s11;
	s15 =	sand.u32 $0xFFFFFC00, s14  }
0xe: {  	s11 =	sor.u32 s30, s15  }
0xf: {  	s15 =	smulhi.u32 $0x51EB851F, s11  }
0x10: {  	s14 =	smulhi.u32 $0x51EB851F, s14  }
0x11: {  	s15 =	sshrl.u32 s15, $0x12  }
0x12: {  	s14 =	sshrl.u32 s14, $0x12;
	s15 =	smul.u32 $0xC8000, s15  }
0x13: {  	s14 =	sand.u32 $0x3F, s14  }
0x14: {  	s14 =	smul.u32 $0x19000, s14;
	s11 =	ssub.s32 s11, s15  }
0x15: {  	[tilespmem:s13+$0x810 ss:$0x81] =	vst.msk $0xffff, v2;
	s15 =	sand.u32 $0x7, s11  }
0x16: {  	[tilespmem:s13+$0x1020 ss:$0x81] =	vst.msk $0xffff, v0;
	s14 =	sadd.s32 s2, s14;
	s11 =	sshrl.u32 s11, $0x3;
	s15 =	sshll.u32 s15, $0x12  }
0x17: {  	[tilespmem:s13+$0x0 ss:$0x81] =	vst.msk $0xffff, v1;
	s11 =	sadd.s32 s11, s14;
	s31 =	sor.u32 $0x400, s15  }
0x18: {  	[hbm4b:s11+s31] =	stream.strided.scatter [tilespmem:s12], [sflag:$0x2], $0x2000, s8, s31, $0x20;
	[tilespmem:$0x8080] =	vst v63  }
.LBB1_5:
0x19: {  	s13 =	sadd.s32 $0x1000, s9  }
0x1a: {  	p2 =	sgt.s32 s13, $0xC7FFF  }
0x1b: {  	s13 =	smov.u32 @p2 s3;
	p2 =	sne.s32 s10, s7  }
.Ltmp1:
0x1c: {  	p1 =	slt.u32 s10, $0x2;
	(pc) =	sbr.rel @!p2 .LBB1_6-.Ltmp1, $4  }
0x1d: {  	s12 =	simm.s32 @!p1 $0x2  }
0x1e: {  	s14 =	sadd.s32 $0x1, s10;
	_ =	swait.ge @!p1 [sflag:s12], $0x2000  }
0x1f: {  	s11 =	smov.u32 s9;
	p0 =	por !p0, !p0;
	[sflag:s12] =	ssyncset.done @!p1 $0x0  }
0x20: {  	s10 =	smov.u32 s14;
	s9 =	smov.u32 s13;
	[sflag:s12] =	ssyncadd.s32 @!p1 $0xFFFFE000  }
.LBB1_1:
0x21: {  	p1 =	sge.u32 s10, s6  }
0x22: {  	s12 =	sand.u32 @!p1 $0x1FFFFFF, s9  }
0x23: {  	s13 =	smulhi.u32 @!p1 $0x147AE15, s12;
	_ =	sdelay $0x1  }
0x24: {  	s13 =	sshrl.u32 @!p1 s13, $0xC  }
0x25: {  	s13 =	smul.u32 @!p1 $0xC8000, s13;
	_ =	sdelay $0x1  }
0x26: {  	s31 =	sadd.s32 $0xFFFFFFFF, s10;
	s14 =	sxor.u32 @!p1 $0xFFFFFFFF, s10;
	s12 =	ssub.s32 @!p1 s12, s13  }
0x27: {  	s15 =	simm.s32 @!p1 $0x80;
	s14 =	sshll.u32 @!p1 s14, $0xD;
	s12 =	sshll.u32 @!p1 s12, $0x4  }
0x28: {  	s13 =	sand.u32 @!p1 $0x2000, s14;
	s14 =	simm.s32 @!p1 $0x40;
	s12 =	sadd.s32 @!p1 s4, s12  }
0x29: {  	[tilespmem:s13], [sflag:$0x1] =	stream.strided.gather @!p1 [hbm4b:s12+s14], $0x2000, s15, s14, $0x38;
	[tilespmem:$0x8080] =	vst v63  }
0x2a: {  	p1 =	sge.u32 s31, s6  }
.Ltmp2:
0x2b: {  	_ = 	snop;
	(pc) =	sbr.rel @p1 .LBB1_5-.Ltmp2, $1  }
0x2c: {  	_ =	sdelay $0x3  }
0x2d: {  	s12 =	simm.s32 $0x1  }
0x2e: {  	_ =	swait.ge [sflag:s5], $0x2000;
	s12 =	simm.s32 @!p0 $0x0  }
0x2f: {  	[sflag:s5] =	ssyncset.done $0x0;
	s13 =	sshll.u32 s12, $0xD  }
0x30: {  	[sflag:s5] =	ssyncadd.s32 $0xFFFFE000;
	s16 =	sor.u32 $0x20, s13  }
0x31: {  	s12 =	smul.u32 $0x8100, s12;
	v3 =	vld [tilespmem:s16+$0x10]  }
0x32: {  	s30 =	sand.u32 $0x1, s10;
	v2 =	vld [tilespmem:s16+$0xFFFFFFF0]  }
0x33: {  	s13 =	smul.u32 $0x8100, s30;
	s12 =	sshrl.u32 s12, $0x2;
	v0 =	vld [tilespmem:s16+$0x0]  }
0x34: {  	v1 =	vld [tilespmem:s16+$0xFFFFFFE0];
	s14 =	sor.u32 $0x4000, s12  }
0x35: {  	s31 =	sshrl.u32 s13, $0x2;
	s13 =	sadd.s32 $0x0, s14  }
0x36: {  	s15 =	simm.s32 $0x4;
	s16 =	sadd.s32 $0x40, s16;
	s12 =	sor.u32 $0x4000, s31;
	[tilespmem:s13+$0x1830 ss:$0x81] =	vst.msk $0xffff, v3  }
.LBB1_3:
0x37: {  	v3 =	vld [tilespmem:s16+$0x10];
	p1 =	sne.s32 s15, $0x1FC;
	[tilespmem:s13+$0x810 ss:$0x81] =	vst.msk $0xffff, v2;
	s17 =	smov.u32 s15;
	s15 =	sadd.s32 $0x4, s15  }
.Ltmp3:
0x38: {  	v2 =	vld [tilespmem:s16+$0xFFFFFFF0];
	[tilespmem:s13+$0x1020 ss:$0x81] =	vst.msk $0xffff, v0;
	(pc) =	sbr.rel @p1 .LBB1_3-.Ltmp3, $4  }
0x39: {  	v0 =	vld [tilespmem:s16+$0x0];
	[tilespmem:s13+$0x0 ss:$0x81] =	vst.msk $0xffff, v1  }
0x3a: {  	s13 =	sshra.s32 s17, $0x2;
	v1 =	vld [tilespmem:s16+$0xFFFFFFE0]  }
0x3b: {  	s13 =	sadd.s32 s13, s14  }
0x3c: {  	s16 =	sadd.s32 $0x40, s16;
	[tilespmem:s13+$0x1830 ss:$0x81] =	vst.msk $0xffff, v3  }
.Ltmp4:
0x3d: {  	_ = 	snop;
	(pc) =	sbr.rel .LBB1_4-.Ltmp4, $1  }
0x3e: {  	_ =	sdelay $0x3  }
.LBB1_6:
0x3f: {  	_ =	sfence.sel $0x180000  }
0x40: {  	s2 =	simm.s32 $0x1;
	[bflag:$0x0] =	sbarrier.arrive $0xFFFF  }
0x41: {  	s31 =	simm.s32 $0x2;
	[sflag:s2] =	ssyncpa.u1 $0x1  }
0x42: {  	[sflag:s31] =	ssyncpa.u1 $0x1  }
0x43: {  	p0 =	sne.s32 s0, $0x0;
	_ =	strace $0x9000004A  }
0x44: {  	s0 =	sadd.s32 @!p0 $0x100000, s1;
	[bflag:$0x2] =	sbarrier.arrive $0xFFFF  }
0x45: {  	[sflag:s0] =	ssyncadd.tile.s32 @!p0 $0x1;
	_ =	shalt  }
.Lfunc_end1:
_tile_overlayer_lowered:
.L_overlay_start_2:
0x46: {  	(tag) =	ssettag $0x2  }
0x47: {  	s0 =	rddreg [dreg:$0x0];
	s2 =	stileid.u32  }
0x48: {  	s1 =	rddreg [dreg:$0x1];
	p0 =	sne.s32 s2, $0x0  }
0x49: {  	s3 =	rddreg [dreg:$0x2];
	[bflag:$0x3] =	sbarrier.arrive $0xFFFF;
	s2 =	simm.s32 @!p0 $0x1C01  }
0x4a: {  	[timem:s3], [sflag:s2] =	dma.local @!p0 [hbm:s0], s1  }
0x4b: {  	s0 =	simm.s32 @!p0 $0x1  }
0x4c: {  	_ =	swait.ge @!p0 [sflag:s0], s1  }
0x4d: {  	s1 =	ssub.s32 @!p0 $0x0, s1;
	[sflag:s0] =	ssyncset.done @!p0 $0x0  }
0x4e: {  	[sflag:s0] =	ssyncadd.s32 @!p0 s1  }
0x4f: {  	[bflag:$0x3] =	sbarrier.arrive $0xFFFF  }
0x50: {  	_ =	shalt  }

</sc_bundles>
